<compile_context>
chip_gen: v7x
topology: tpu7x:2x2x1
jax: 0.10.2.dev20260603
libtpu: 0.0.44.dev20260713+nightly
codegen_flags: <defaults>
</compile_context>

<pallas_src>
import functools

import jax
import jax.numpy as jnp
from jax import lax
from jax.experimental import pallas as pl
from jax.experimental.pallas import tpu as pltpu
from jax.experimental.pallas import tpu_sc as plsc

_LANES = 16
_TCOL = 128


@functools.lru_cache(maxsize=None)
def _make_gather(V, D, B):
    info = plsc.get_sparse_core_info()
    NC, NS = info.num_cores, info.num_subcores
    NW = NC * NS
    assert B % (NW * _LANES) == 0 and D % _LANES == 0
    b_per_w = B // NW
    n_groups = b_per_w // _LANES
    n_j = D // _LANES

    mesh = plsc.VectorSubcoreMesh(core_axis_name="c", subcore_axis_name="s")

    @functools.partial(
        pl.kernel,
        mesh=mesh,
        out_type=(
            jax.ShapeDtypeStruct((D, B), jnp.float32),
            jax.ShapeDtypeStruct((D, B), jnp.float32),
        ),
        scratch_types=[
            pltpu.VMEM((b_per_w + _LANES,), jnp.int32),
            pltpu.VMEM((_LANES, D, _TCOL), jnp.float32),
            pltpu.VMEM((D, b_per_w), jnp.float32),
            [pltpu.SemaphoreType.DMA] * _LANES,
            pltpu.SemaphoreType.DMA,
        ],
        compiler_params=pltpu.CompilerParams(needs_layout_passes=False),
    )
    def gather_kernel(tT_hbm, idx_hbm, o1_hbm, o2_hbm, idx_v, ring_v, out_v, sems, osem):
        wid = lax.axis_index("s") * NC + lax.axis_index("c")
        base = wid * b_per_w
        pltpu.sync_copy(
            idx_hbm.at[pl.ds(base, b_per_w)], idx_v.at[pl.ds(0, b_per_w)]
        )
        jrows = [
            lax.iota(jnp.int32, _LANES) + (j * _LANES) for j in range(n_j)
        ]

        def fetch_group(g):
            qoff = idx_v[pl.ds(g * _LANES, _LANES)] & jnp.int32(~(_TCOL - 1))
            for k in range(_LANES):
                o = pl.multiple_of(qoff[k], _TCOL)
                pltpu.async_copy(
                    tT_hbm.at[:, pl.ds(o, _TCOL)], ring_v.at[k], sems[k]
                )

        fetch_group(0)

        def body(g, carry):
            vec = idx_v[pl.ds(g * _LANES, _LANES)]
            rvec = vec & jnp.int32(_TCOL - 1)
            qoff_nxt = (
                idx_v[pl.ds((g + 1) * _LANES, _LANES)] & jnp.int32(~(_TCOL - 1))
            )
            for k in range(_LANES):
                pltpu.make_async_copy(
                    tT_hbm.at[:, pl.ds(0, _TCOL)], ring_v.at[k], sems[k]
                ).wait()
                col = jnp.full((_LANES,), rvec[k], dtype=jnp.int32)
                bcol = jnp.full((_LANES,), g * _LANES + k, dtype=jnp.int32)
                for j in range(n_j):
                    vals = plsc.load_gather(ring_v.at[k], [jrows[j], col])
                    plsc.store_scatter(out_v, [jrows[j], bcol], vals)

                @pl.when(g + 1 < n_groups)
                def _():
                    o = pl.multiple_of(qoff_nxt[k], _TCOL)
                    pltpu.async_copy(
                        tT_hbm.at[:, pl.ds(o, _TCOL)], ring_v.at[k], sems[k]
                    )

            return carry

        lax.fori_loop(0, n_groups, body, 0)
        c1 = pltpu.async_copy(out_v, o1_hbm.at[:, pl.ds(base, b_per_w)], osem)
        c2 = pltpu.async_copy(out_v, o2_hbm.at[:, pl.ds(base, b_per_w)], osem)
        c1.wait()
        c2.wait()

    return gather_kernel


def kernel(u_input, embedding_weight):
    V, D = embedding_weight.shape
    B = u_input.shape[0]
    idx = u_input.reshape(B)
    o1, o2 = _make_gather(V, D, B)(embedding_weight.T, idx)
    return (o1.T, o2.T)

# --- scband reference (transcript-rebuilt; emitter-appended) ---
"""Pipeline reference for scband-zprior-disc-83571473645851 (READ-ONLY COPY).

The authoritative reference and input builder live on the scoring server;
editing this copy changes nothing except your own understanding.
"""

import jax, jax.numpy as jnp
import numpy as np

BATCH = 16384
NUM_U = 1000000
DIM_Z = 32


def setup_inputs(seed: int = 0) -> dict:
    key = jax.random.key(seed)
    k1, k2 = jax.random.split(key)
    u_input = jax.random.randint(k1, (BATCH, 1), 0, NUM_U, dtype=jnp.int32)
    embedding_weight = jax.random.normal(k2, (NUM_U, DIM_Z), dtype=jnp.float32)
    return {"u_input": u_input, "embedding_weight": embedding_weight}


def _squeeze_func(x):
    # torch .squeeze(1): remove axis 1 only if it has size 1 (no-op otherwise)
    if x.ndim > 1 and x.shape[1] == 1:
        return jnp.squeeze(x, axis=1)
    return x


def reference(u_input, embedding_weight):
    # embedding lookup: table[idx] -> [B, 1, dim_z]
    e1 = jnp.take(embedding_weight, u_input, axis=0)
    lam_mean = _squeeze_func(_squeeze_func(e1))
    e2 = jnp.take(embedding_weight, u_input, axis=0)
    lam_log_var = _squeeze_func(_squeeze_func(e2))
    return (lam_mean, lam_log_var)

if __name__ == "__main__":
    import jax
    _d = setup_inputs()
    print(jax.jit(kernel)(*tuple(_d.values())))

</pallas_src>

<mosaic_0001>
#map = affine_map<(d0, d1) -> (0, 0)>
#map1 = affine_map<(d0, d1) -> (0)>
module attributes {stable_mosaic.version = 14 : i64} {
  func.func @gather_kernel(%arg0: i32, %arg1: i32, %arg2: memref<32x1000000xf32, #tpu.memory_space<hbm>>, %arg3: memref<16384xi32, #tpu.memory_space<hbm>>, %arg4: memref<32x16384xf32, #tpu.memory_space<hbm>>, %arg5: memref<32x16384xf32, #tpu.memory_space<hbm>>, %arg6: memref<528xi32, #tpu.memory_space<vmem>>, %arg7: memref<16x32x128xf32, #tpu.memory_space<vmem>>, %arg8: memref<32x512xf32, #tpu.memory_space<vmem>>, %arg9: memref<!tpu.dma_semaphore, #tpu.memory_space<semaphore_mem>>, %arg10: memref<!tpu.dma_semaphore, #tpu.memory_space<semaphore_mem>>, %arg11: memref<!tpu.dma_semaphore, #tpu.memory_space<semaphore_mem>>, %arg12: memref<!tpu.dma_semaphore, #tpu.memory_space<semaphore_mem>>, %arg13: memref<!tpu.dma_semaphore, #tpu.memory_space<semaphore_mem>>, %arg14: memref<!tpu.dma_semaphore, #tpu.memory_space<semaphore_mem>>, %arg15: memref<!tpu.dma_semaphore, #tpu.memory_space<semaphore_mem>>, %arg16: memref<!tpu.dma_semaphore, #tpu.memory_space<semaphore_mem>>, %arg17: memref<!tpu.dma_semaphore, #tpu.memory_space<semaphore_mem>>, %arg18: memref<!tpu.dma_semaphore, #tpu.memory_space<semaphore_mem>>, %arg19: memref<!tpu.dma_semaphore, #tpu.memory_space<semaphore_mem>>, %arg20: memref<!tpu.dma_semaphore, #tpu.memory_space<semaphore_mem>>, %arg21: memref<!tpu.dma_semaphore, #tpu.memory_space<semaphore_mem>>, %arg22: memref<!tpu.dma_semaphore, #tpu.memory_space<semaphore_mem>>, %arg23: memref<!tpu.dma_semaphore, #tpu.memory_space<semaphore_mem>>, %arg24: memref<!tpu.dma_semaphore, #tpu.memory_space<semaphore_mem>>, %arg25: memref<!tpu.dma_semaphore, #tpu.memory_space<semaphore_mem>>) attributes {dimension_semantics = [#tpu.dimension_semantics<core_parallel>, #tpu.dimension_semantics<subcore_parallel>], iteration_bounds = array<i64: 2, 16>, scalar_prefetch = 0 : i64, scratch_operands = 20 : i64, tpu.core_type = #tpu.core_type<sc_vector_subcore>, window_params = [{transform_indices = #map}, {transform_indices = #map1}, {transform_indices = #map}, {transform_indices = #map}]} {
    %mul3A = arith.constant 2 : i32
    %mul3A_0 = arith.muli %arg1, %mul3A : i32
    %add3A = arith.addi %mul3A_0, %arg0 : i32
    %mul3A_1 = arith.constant 512 : i32
    %mul3A_2 = arith.muli %add3A, %mul3A_1 : i32
    "tpu.region"() ({
      %run_scoped3A = tpu.sem_alloc : memref<!tpu.dma_semaphore, #tpu.memory_space<semaphore_mem>>
      %dma_start3A_285 = arith.constant 0 : i32
      %dma_start3A_286 = tpu.memref_slice %arg6[%dma_start3A_285] : memref<528xi32, #tpu.memory_space<vmem>> -> memref<512xi32, #tpu.memory_space<vmem>>
      %dma_start3A_287 = tpu.memref_slice %arg3[%mul3A_2] : memref<16384xi32, #tpu.memory_space<hbm>> -> memref<512xi32, #tpu.memory_space<hbm>>
      %dma_start3A_288 = arith.constant 0 : i32
      %dma_start3A_289 = tpu.memref_slice %arg6[%dma_start3A_288] : memref<528xi32, #tpu.memory_space<vmem>> -> memref<512xi32, #tpu.memory_space<vmem>>
      %dma_start3A_290 = tpu.memref_slice %arg3[%mul3A_2] : memref<16384xi32, #tpu.memory_space<hbm>> -> memref<512xi32, #tpu.memory_space<hbm>>
      tpu.enqueue_dma source(%dma_start3A_290 : memref<512xi32, #tpu.memory_space<hbm>>) target(%dma_start3A_289 : memref<512xi32, #tpu.memory_space<vmem>>) target_semaphore(%run_scoped3A : memref<!tpu.dma_semaphore, #tpu.memory_space<semaphore_mem>>)
      %dma_wait3A_291 = arith.constant 0 : i32
      %dma_wait3A_292 = tpu.memref_slice %arg6[%dma_wait3A_291] : memref<528xi32, #tpu.memory_space<vmem>> -> memref<512xi32, #tpu.memory_space<vmem>>
      %dma_wait3A_293 = tpu.memref_slice %arg3[%mul3A_2] : memref<16384xi32, #tpu.memory_space<hbm>> -> memref<512xi32, #tpu.memory_space<hbm>>
      %dma_wait3A_294 = arith.constant 0 : i32
      %dma_wait3A_295 = tpu.memref_slice %arg6[%dma_wait3A_294] : memref<528xi32, #tpu.memory_space<vmem>> -> memref<512xi32, #tpu.memory_space<vmem>>
      %dma_wait3A_296 = tpu.memref_slice %arg3[%mul3A_2] : memref<16384xi32, #tpu.memory_space<hbm>> -> memref<512xi32, #tpu.memory_space<hbm>>
      tpu.wait_dma2 semaphore(%run_scoped3A : memref<!tpu.dma_semaphore, #tpu.memory_space<semaphore_mem>>) src(%dma_wait3A_296 : memref<512xi32, #tpu.memory_space<hbm>>) dst(%dma_wait3A_295 : memref<512xi32, #tpu.memory_space<vmem>>)
      tpu.yield
    }) : () -> ()
    %iota3A = tpu.iota {dimensions = array<i32: 0>} : vector<16xi32>
    %add3A_3 = arith.constant 0 : i32
    %add3A_4 = vector.broadcast %add3A_3 : i32 to vector<16xi32>
    %add3A_5 = arith.addi %iota3A, %add3A_4 : vector<16xi32>
    %iota3A_6 = tpu.iota {dimensions = array<i32: 0>} : vector<16xi32>
    %add3A_7 = arith.constant 16 : i32
    %add3A_8 = vector.broadcast %add3A_7 : i32 to vector<16xi32>
    %add3A_9 = arith.addi %iota3A_6, %add3A_8 : vector<16xi32>
    %get3A = arith.constant 0 : index
    %get3A_10 = tpu.vector_load %arg6[%get3A] {strides = array<i32>} : memref<528xi32, #tpu.memory_space<vmem>>, vector<16xi32>,
    %and3A = arith.constant -128 : i32
    %and3A_11 = vector.broadcast %and3A : i32 to vector<16xi32>
    %and3A_12 = arith.andi %get3A_10, %and3A_11 : vector<16xi32>
    %slice3A = vector.extract_strided_slice %and3A_12 {offsets = [0], sizes = [1], strides = [1]} : vector<16xi32> to vector<1xi32>
    %squeeze3A = vector.extract %slice3A[0] : i32 from vector<1xi32>
    %multiple_of3A = tpu.assume_multiple %squeeze3A, 128 : i32
    %dma_start3A = arith.constant 0 : i32
    %dma_start3A_13 = arith.constant 0 : i32
    %dma_start3A_14 = arith.constant 0 : i32
    %dma_start3A_15 = tpu.memref_slice %arg7[%dma_start3A, %dma_start3A_13, %dma_start3A_14] : memref<16x32x128xf32, #tpu.memory_space<vmem>> -> memref<1x32x128xf32, #tpu.memory_space<vmem>>
    %dma_start3A_16 = tpu.memref_squeeze %dma_start3A_15 : memref<1x32x128xf32, #tpu.memory_space<vmem>> -> memref<32x128xf32, #tpu.memory_space<vmem>>
    %dma_start3A_17 = arith.constant 0 : i32
    %dma_start3A_18 = tpu.memref_slice %arg2[%dma_start3A_17, %multiple_of3A] : memref<32x1000000xf32, #tpu.memory_space<hbm>> -> memref<32x128xf32, #tpu.memory_space<hbm>>
    %dma_start3A_19 = arith.constant 0 : i32
    %dma_start3A_20 = arith.constant 0 : i32
    %dma_start3A_21 = tpu.memref_slice %arg7[%dma_start3A, %dma_start3A_19, %dma_start3A_20] : memref<16x32x128xf32, #tpu.memory_space<vmem>> -> memref<1x32x128xf32, #tpu.memory_space<vmem>>
    %dma_start3A_22 = tpu.memref_squeeze %dma_start3A_21 : memref<1x32x128xf32, #tpu.memory_space<vmem>> -> memref<32x128xf32, #tpu.memory_space<vmem>>
    %dma_start3A_23 = arith.constant 0 : i32
    %dma_start3A_24 = tpu.memref_slice %arg2[%dma_start3A_23, %multiple_of3A] : memref<32x1000000xf32, #tpu.memory_space<hbm>> -> memref<32x128xf32, #tpu.memory_space<hbm>>
    tpu.enqueue_dma source(%dma_start3A_24 : memref<32x128xf32, #tpu.memory_space<hbm>>) target(%dma_start3A_22 : memref<32x128xf32, #tpu.memory_space<vmem>>) target_semaphore(%arg9 : memref<!tpu.dma_semaphore, #tpu.memory_space<semaphore_mem>>)
    %slice3A_25 = vector.extract_strided_slice %and3A_12 {offsets = [1], sizes = [1], strides = [1]} : vector<16xi32> to vector<1xi32>
    %squeeze3A_26 = vector.extract %slice3A_25[0] : i32 from vector<1xi32>
    %multiple_of3A_27 = tpu.assume_multiple %squeeze3A_26, 128 : i32
    %dma_start3A_28 = arith.constant 1 : i32
    %dma_start3A_29 = arith.constant 0 : i32
    %dma_start3A_30 = arith.constant 0 : i32
    %dma_start3A_31 = tpu.memref_slice %arg7[%dma_start3A_28, %dma_start3A_29, %dma_start3A_30] : memref<16x32x128xf32, #tpu.memory_space<vmem>> -> memref<1x32x128xf32, #tpu.memory_space<vmem>>
    %dma_start3A_32 = tpu.memref_squeeze %dma_start3A_31 : memref<1x32x128xf32, #tpu.memory_space<vmem>> -> memref<32x128xf32, #tpu.memory_space<vmem>>
    %dma_start3A_33 = arith.constant 0 : i32
    %dma_start3A_34 = tpu.memref_slice %arg2[%dma_start3A_33, %multiple_of3A_27] : memref<32x1000000xf32, #tpu.memory_space<hbm>> -> memref<32x128xf32, #tpu.memory_space<hbm>>
    %dma_start3A_35 = arith.constant 0 : i32
    %dma_start3A_36 = arith.constant 0 : i32
    %dma_start3A_37 = tpu.memref_slice %arg7[%dma_start3A_28, %dma_start3A_35, %dma_start3A_36] : memref<16x32x128xf32, #tpu.memory_space<vmem>> -> memref<1x32x128xf32, #tpu.memory_space<vmem>>
    %dma_start3A_38 = tpu.memref_squeeze %dma_start3A_37 : memref<1x32x128xf32, #tpu.memory_space<vmem>> -> memref<32x128xf32, #tpu.memory_space<vmem>>
    %dma_start3A_39 = arith.constant 0 : i32
    %dma_start3A_40 = tpu.memref_slice %arg2[%dma_start3A_39, %multiple_of3A_27] : memref<32x1000000xf32, #tpu.memory_space<hbm>> -> memref<32x128xf32, #tpu.memory_space<hbm>>
    tpu.enqueue_dma source(%dma_start3A_40 : memref<32x128xf32, #tpu.memory_space<hbm>>) target(%dma_start3A_38 : memref<32x128xf32, #tpu.memory_space<vmem>>) target_semaphore(%arg10 : memref<!tpu.dma_semaphore, #tpu.memory_space<semaphore_mem>>)
    %slice3A_41 = vector.extract_strided_slice %and3A_12 {offsets = [2], sizes = [1], strides = [1]} : vector<16xi32> to vector<1xi32>
    %squeeze3A_42 = vector.extract %slice3A_41[0] : i32 from vector<1xi32>
    %multiple_of3A_43 = tpu.assume_multiple %squeeze3A_42, 128 : i32
    %dma_start3A_44 = arith.constant 2 : i32
    %dma_start3A_45 = arith.constant 0 : i32
    %dma_start3A_46 = arith.constant 0 : i32
    %dma_start3A_47 = tpu.memref_slice %arg7[%dma_start3A_44, %dma_start3A_45, %dma_start3A_46] : memref<16x32x128xf32, #tpu.memory_space<vmem>> -> memref<1x32x128xf32, #tpu.memory_space<vmem>>
    %dma_start3A_48 = tpu.memref_squeeze %dma_start3A_47 : memref<1x32x128xf32, #tpu.memory_space<vmem>> -> memref<32x128xf32, #tpu.memory_space<vmem>>
    %dma_start3A_49 = arith.constant 0 : i32
    %dma_start3A_50 = tpu.memref_slice %arg2[%dma_start3A_49, %multiple_of3A_43] : memref<32x1000000xf32, #tpu.memory_space<hbm>> -> memref<32x128xf32, #tpu.memory_space<hbm>>
    %dma_start3A_51 = arith.constant 0 : i32
    %dma_start3A_52 = arith.constant 0 : i32
    %dma_start3A_53 = tpu.memref_slice %arg7[%dma_start3A_44, %dma_start3A_51, %dma_start3A_52] : memref<16x32x128xf32, #tpu.memory_space<vmem>> -> memref<1x32x128xf32, #tpu.memory_space<vmem>>
    %dma_start3A_54 = tpu.memref_squeeze %dma_start3A_53 : memref<1x32x128xf32, #tpu.memory_space<vmem>> -> memref<32x128xf32, #tpu.memory_space<vmem>>
    %dma_start3A_55 = arith.constant 0 : i32
    %dma_start3A_56 = tpu.memref_slice %arg2[%dma_start3A_55, %multiple_of3A_43] : memref<32x1000000xf32, #tpu.memory_space<hbm>> -> memref<32x128xf32, #tpu.memory_space<hbm>>
    tpu.enqueue_dma source(%dma_start3A_56 : memref<32x128xf32, #tpu.memory_space<hbm>>) target(%dma_start3A_54 : memref<32x128xf32, #tpu.memory_space<vmem>>) target_semaphore(%arg11 : memref<!tpu.dma_semaphore, #tpu.memory_space<semaphore_mem>>)
    %slice3A_57 = vector.extract_strided_slice %and3A_12 {offsets = [3], sizes = [1], strides = [1]} : vector<16xi32> to vector<1xi32>
    %squeeze3A_58 = vector.extract %slice3A_57[0] : i32 from vector<1xi32>
    %multiple_of3A_59 = tpu.assume_multiple %squeeze3A_58, 128 : i32
    %dma_start3A_60 = arith.constant 3 : i32
    %dma_start3A_61 = arith.constant 0 : i32
    %dma_start3A_62 = arith.constant 0 : i32
    %dma_start3A_63 = tpu.memref_slice %arg7[%dma_start3A_60, %dma_start3A_61, %dma_start3A_62] : memref<16x32x128xf32, #tpu.memory_space<vmem>> -> memref<1x32x128xf32, #tpu.memory_space<vmem>>
    %dma_start3A_64 = tpu.memref_squeeze %dma_start3A_63 : memref<1x32x128xf32, #tpu.memory_space<vmem>> -> memref<32x128xf32, #tpu.memory_space<vmem>>
    %dma_start3A_65 = arith.constant 0 : i32
    %dma_start3A_66 = tpu.memref_slice %arg2[%dma_start3A_65, %multiple_of3A_59] : memref<32x1000000xf32, #tpu.memory_space<hbm>> -> memref<32x128xf32, #tpu.memory_space<hbm>>
    %dma_start3A_67 = arith.constant 0 : i32
    %dma_start3A_68 = arith.constant 0 : i32
    %dma_start3A_69 = tpu.memref_slice %arg7[%dma_start3A_60, %dma_start3A_67, %dma_start3A_68] : memref<16x32x128xf32, #tpu.memory_space<vmem>> -> memref<1x32x128xf32, #tpu.memory_space<vmem>>
    %dma_start3A_70 = tpu.memref_squeeze %dma_start3A_69 : memref<1x32x128xf32, #tpu.memory_space<vmem>> -> memref<32x128xf32, #tpu.memory_space<vmem>>
    %dma_start3A_71 = arith.constant 0 : i32
    %dma_start3A_72 = tpu.memref_slice %arg2[%dma_start3A_71, %multiple_of3A_59] : memref<32x1000000xf32, #tpu.memory_space<hbm>> -> memref<32x128xf32, #tpu.memory_space<hbm>>
    tpu.enqueue_dma source(%dma_start3A_72 : memref<32x128xf32, #tpu.memory_space<hbm>>) target(%dma_start3A_70 : memref<32x128xf32, #tpu.memory_space<vmem>>) target_semaphore(%arg12 : memref<!tpu.dma_semaphore, #tpu.memory_space<semaphore_mem>>)
    %slice3A_73 = vector.extract_strided_slice %and3A_12 {offsets = [4], sizes = [1], strides = [1]} : vector<16xi32> to vector<1xi32>
    %squeeze3A_74 = vector.extract %slice3A_73[0] : i32 from vector<1xi32>
    %multiple_of3A_75 = tpu.assume_multiple %squeeze3A_74, 128 : i32
    %dma_start3A_76 = arith.constant 4 : i32
    %dma_start3A_77 = arith.constant 0 : i32
    %dma_start3A_78 = arith.constant 0 : i32
    %dma_start3A_79 = tpu.memref_slice %arg7[%dma_start3A_76, %dma_start3A_77, %dma_start3A_78] : memref<16x32x128xf32, #tpu.memory_space<vmem>> -> memref<1x32x128xf32, #tpu.memory_space<vmem>>
    %dma_start3A_80 = tpu.memref_squeeze %dma_start3A_79 : memref<1x32x128xf32, #tpu.memory_space<vmem>> -> memref<32x128xf32, #tpu.memory_space<vmem>>
    %dma_start3A_81 = arith.constant 0 : i32
    %dma_start3A_82 = tpu.memref_slice %arg2[%dma_start3A_81, %multiple_of3A_75] : memref<32x1000000xf32, #tpu.memory_space<hbm>> -> memref<32x128xf32, #tpu.memory_space<hbm>>
    %dma_start3A_83 = arith.constant 0 : i32
    %dma_start3A_84 = arith.constant 0 : i32
    %dma_start3A_85 = tpu.memref_slice %arg7[%dma_start3A_76, %dma_start3A_83, %dma_start3A_84] : memref<16x32x128xf32, #tpu.memory_space<vmem>> -> memref<1x32x128xf32, #tpu.memory_space<vmem>>
    %dma_start3A_86 = tpu.memref_squeeze %dma_start3A_85 : memref<1x32x128xf32, #tpu.memory_space<vmem>> -> memref<32x128xf32, #tpu.memory_space<vmem>>
    %dma_start3A_87 = arith.constant 0 : i32
    %dma_start3A_88 = tpu.memref_slice %arg2[%dma_start3A_87, %multiple_of3A_75] : memref<32x1000000xf32, #tpu.memory_space<hbm>> -> memref<32x128xf32, #tpu.memory_space<hbm>>
    tpu.enqueue_dma source(%dma_start3A_88 : memref<32x128xf32, #tpu.memory_space<hbm>>) target(%dma_start3A_86 : memref<32x128xf32, #tpu.memory_space<vmem>>) target_semaphore(%arg13 : memref<!tpu.dma_semaphore, #tpu.memory_space<semaphore_mem>>)
    %slice3A_89 = vector.extract_strided_slice %and3A_12 {offsets = [5], sizes = [1], strides = [1]} : vector<16xi32> to vector<1xi32>
    %squeeze3A_90 = vector.extract %slice3A_89[0] : i32 from vector<1xi32>
    %multiple_of3A_91 = tpu.assume_multiple %squeeze3A_90, 128 : i32
    %dma_start3A_92 = arith.constant 5 : i32
    %dma_start3A_93 = arith.constant 0 : i32
    %dma_start3A_94 = arith.constant 0 : i32
    %dma_start3A_95 = tpu.memref_slice %arg7[%dma_start3A_92, %dma_start3A_93, %dma_start3A_94] : memref<16x32x128xf32, #tpu.memory_space<vmem>> -> memref<1x32x128xf32, #tpu.memory_space<vmem>>
    %dma_start3A_96 = tpu.memref_squeeze %dma_start3A_95 : memref<1x32x128xf32, #tpu.memory_space<vmem>> -> memref<32x128xf32, #tpu.memory_space<vmem>>
    %dma_start3A_97 = arith.constant 0 : i32
    %dma_start3A_98 = tpu.memref_slice %arg2[%dma_start3A_97, %multiple_of3A_91] : memref<32x1000000xf32, #tpu.memory_space<hbm>> -> memref<32x128xf32, #tpu.memory_space<hbm>>
    %dma_start3A_99 = arith.constant 0 : i32
    %dma_start3A_100 = arith.constant 0 : i32
    %dma_start3A_101 = tpu.memref_slice %arg7[%dma_start3A_92, %dma_start3A_99, %dma_start3A_100] : memref<16x32x128xf32, #tpu.memory_space<vmem>> -> memref<1x32x128xf32, #tpu.memory_space<vmem>>
    %dma_start3A_102 = tpu.memref_squeeze %dma_start3A_101 : memref<1x32x128xf32, #tpu.memory_space<vmem>> -> memref<32x128xf32, #tpu.memory_space<vmem>>
    %dma_start3A_103 = arith.constant 0 : i32
    %dma_start3A_104 = tpu.memref_slice %arg2[%dma_start3A_103, %multiple_of3A_91] : memref<32x1000000xf32, #tpu.memory_space<hbm>> -> memref<32x128xf32, #tpu.memory_space<hbm>>
    tpu.enqueue_dma source(%dma_start3A_104 : memref<32x128xf32, #tpu.memory_space<hbm>>) target(%dma_start3A_102 : memref<32x128xf32, #tpu.memory_space<vmem>>) target_semaphore(%arg14 : memref<!tpu.dma_semaphore, #tpu.memory_space<semaphore_mem>>)
    %slice3A_105 = vector.extract_strided_slice %and3A_12 {offsets = [6], sizes = [1], strides = [1]} : vector<16xi32> to vector<1xi32>
    %squeeze3A_106 = vector.extract %slice3A_105[0] : i32 from vector<1xi32>
    %multiple_of3A_107 = tpu.assume_multiple %squeeze3A_106, 128 : i32
    %dma_start3A_108 = arith.constant 6 : i32
    %dma_start3A_109 = arith.constant 0 : i32
    %dma_start3A_110 = arith.constant 0 : i32
    %dma_start3A_111 = tpu.memref_slice %arg7[%dma_start3A_108, %dma_start3A_109, %dma_start3A_110] : memref<16x32x128xf32, #tpu.memory_space<vmem>> -> memref<1x32x128xf32, #tpu.memory_space<vmem>>
    %dma_start3A_112 = tpu.memref_squeeze %dma_start3A_111 : memref<1x32x128xf32, #tpu.memory_space<vmem>> -> memref<32x128xf32, #tpu.memory_space<vmem>>
    %dma_start3A_113 = arith.constant 0 : i32
    %dma_start3A_114 = tpu.memref_slice %arg2[%dma_start3A_113, %multiple_of3A_107] : memref<32x1000000xf32, #tpu.memory_space<hbm>> -> memref<32x128xf32, #tpu.memory_space<hbm>>
    %dma_start3A_115 = arith.constant 0 : i32
    %dma_start3A_116 = arith.constant 0 : i32
    %dma_start3A_117 = tpu.memref_slice %arg7[%dma_start3A_108, %dma_start3A_115, %dma_start3A_116] : memref<16x32x128xf32, #tpu.memory_space<vmem>> -> memref<1x32x128xf32, #tpu.memory_space<vmem>>
    %dma_start3A_118 = tpu.memref_squeeze %dma_start3A_117 : memref<1x32x128xf32, #tpu.memory_space<vmem>> -> memref<32x128xf32, #tpu.memory_space<vmem>>
    %dma_start3A_119 = arith.constant 0 : i32
    %dma_start3A_120 = tpu.memref_slice %arg2[%dma_start3A_119, %multiple_of3A_107] : memref<32x1000000xf32, #tpu.memory_space<hbm>> -> memref<32x128xf32, #tpu.memory_space<hbm>>
    tpu.enqueue_dma source(%dma_start3A_120 : memref<32x128xf32, #tpu.memory_space<hbm>>) target(%dma_start3A_118 : memref<32x128xf32, #tpu.memory_space<vmem>>) target_semaphore(%arg15 : memref<!tpu.dma_semaphore, #tpu.memory_space<semaphore_mem>>)
    %slice3A_121 = vector.extract_strided_slice %and3A_12 {offsets = [7], sizes = [1], strides = [1]} : vector<16xi32> to vector<1xi32>
    %squeeze3A_122 = vector.extract %slice3A_121[0] : i32 from vector<1xi32>
    %multiple_of3A_123 = tpu.assume_multiple %squeeze3A_122, 128 : i32
    %dma_start3A_124 = arith.constant 7 : i32
    %dma_start3A_125 = arith.constant 0 : i32
    %dma_start3A_126 = arith.constant 0 : i32
    %dma_start3A_127 = tpu.memref_slice %arg7[%dma_start3A_124, %dma_start3A_125, %dma_start3A_126] : memref<16x32x128xf32, #tpu.memory_space<vmem>> -> memref<1x32x128xf32, #tpu.memory_space<vmem>>
    %dma_start3A_128 = tpu.memref_squeeze %dma_start3A_127 : memref<1x32x128xf32, #tpu.memory_space<vmem>> -> memref<32x128xf32, #tpu.memory_space<vmem>>
    %dma_start3A_129 = arith.constant 0 : i32
    %dma_start3A_130 = tpu.memref_slice %arg2[%dma_start3A_129, %multiple_of3A_123] : memref<32x1000000xf32, #tpu.memory_space<hbm>> -> memref<32x128xf32, #tpu.memory_space<hbm>>
    %dma_start3A_131 = arith.constant 0 : i32
    %dma_start3A_132 = arith.constant 0 : i32
    %dma_start3A_133 = tpu.memref_slice %arg7[%dma_start3A_124, %dma_start3A_131, %dma_start3A_132] : memref<16x32x128xf32, #tpu.memory_space<vmem>> -> memref<1x32x128xf32, #tpu.memory_space<vmem>>
    %dma_start3A_134 = tpu.memref_squeeze %dma_start3A_133 : memref<1x32x128xf32, #tpu.memory_space<vmem>> -> memref<32x128xf32, #tpu.memory_space<vmem>>
    %dma_start3A_135 = arith.constant 0 : i32
    %dma_start3A_136 = tpu.memref_slice %arg2[%dma_start3A_135, %multiple_of3A_123] : memref<32x1000000xf32, #tpu.memory_space<hbm>> -> memref<32x128xf32, #tpu.memory_space<hbm>>
    tpu.enqueue_dma source(%dma_start3A_136 : memref<32x128xf32, #tpu.memory_space<hbm>>) target(%dma_start3A_134 : memref<32x128xf32, #tpu.memory_space<vmem>>) target_semaphore(%arg16 : memref<!tpu.dma_semaphore, #tpu.memory_space<semaphore_mem>>)
    %slice3A_137 = vector.extract_strided_slice %and3A_12 {offsets = [8], sizes = [1], strides = [1]} : vector<16xi32> to vector<1xi32>
    %squeeze3A_138 = vector.extract %slice3A_137[0] : i32 from vector<1xi32>
    %multiple_of3A_139 = tpu.assume_multiple %squeeze3A_138, 128 : i32
    %dma_start3A_140 = arith.constant 8 : i32
    %dma_start3A_141 = arith.constant 0 : i32
    %dma_start3A_142 = arith.constant 0 : i32
    %dma_start3A_143 = tpu.memref_slice %arg7[%dma_start3A_140, %dma_start3A_141, %dma_start3A_142] : memref<16x32x128xf32, #tpu.memory_space<vmem>> -> memref<1x32x128xf32, #tpu.memory_space<vmem>>
    %dma_start3A_144 = tpu.memref_squeeze %dma_start3A_143 : memref<1x32x128xf32, #tpu.memory_space<vmem>> -> memref<32x128xf32, #tpu.memory_space<vmem>>
    %dma_start3A_145 = arith.constant 0 : i32
    %dma_start3A_146 = tpu.memref_slice %arg2[%dma_start3A_145, %multiple_of3A_139] : memref<32x1000000xf32, #tpu.memory_space<hbm>> -> memref<32x128xf32, #tpu.memory_space<hbm>>
    %dma_start3A_147 = arith.constant 0 : i32
    %dma_start3A_148 = arith.constant 0 : i32
    %dma_start3A_149 = tpu.memref_slice %arg7[%dma_start3A_140, %dma_start3A_147, %dma_start3A_148] : memref<16x32x128xf32, #tpu.memory_space<vmem>> -> memref<1x32x128xf32, #tpu.memory_space<vmem>>
    %dma_start3A_150 = tpu.memref_squeeze %dma_start3A_149 : memref<1x32x128xf32, #tpu.memory_space<vmem>> -> memref<32x128xf32, #tpu.memory_space<vmem>>
    %dma_start3A_151 = arith.constant 0 : i32
    %dma_start3A_152 = tpu.memref_slice %arg2[%dma_start3A_151, %multiple_of3A_139] : memref<32x1000000xf32, #tpu.memory_space<hbm>> -> memref<32x128xf32, #tpu.memory_space<hbm>>
    tpu.enqueue_dma source(%dma_start3A_152 : memref<32x128xf32, #tpu.memory_space<hbm>>) target(%dma_start3A_150 : memref<32x128xf32, #tpu.memory_space<vmem>>) target_semaphore(%arg17 : memref<!tpu.dma_semaphore, #tpu.memory_space<semaphore_mem>>)
    %slice3A_153 = vector.extract_strided_slice %and3A_12 {offsets = [9], sizes = [1], strides = [1]} : vector<16xi32> to vector<1xi32>
    %squeeze3A_154 = vector.extract %slice3A_153[0] : i32 from vector<1xi32>
    %multiple_of3A_155 = tpu.assume_multiple %squeeze3A_154, 128 : i32
    %dma_start3A_156 = arith.constant 9 : i32
    %dma_start3A_157 = arith.constant 0 : i32
    %dma_start3A_158 = arith.constant 0 : i32
    %dma_start3A_159 = tpu.memref_slice %arg7[%dma_start3A_156, %dma_start3A_157, %dma_start3A_158] : memref<16x32x128xf32, #tpu.memory_space<vmem>> -> memref<1x32x128xf32, #tpu.memory_space<vmem>>
    %dma_start3A_160 = tpu.memref_squeeze %dma_start3A_159 : memref<1x32x128xf32, #tpu.memory_space<vmem>> -> memref<32x128xf32, #tpu.memory_space<vmem>>
    %dma_start3A_161 = arith.constant 0 : i32
    %dma_start3A_162 = tpu.memref_slice %arg2[%dma_start3A_161, %multiple_of3A_155] : memref<32x1000000xf32, #tpu.memory_space<hbm>> -> memref<32x128xf32, #tpu.memory_space<hbm>>
    %dma_start3A_163 = arith.constant 0 : i32
    %dma_start3A_164 = arith.constant 0 : i32
    %dma_start3A_165 = tpu.memref_slice %arg7[%dma_start3A_156, %dma_start3A_163, %dma_start3A_164] : memref<16x32x128xf32, #tpu.memory_space<vmem>> -> memref<1x32x128xf32, #tpu.memory_space<vmem>>
    %dma_start3A_166 = tpu.memref_squeeze %dma_start3A_165 : memref<1x32x128xf32, #tpu.memory_space<vmem>> -> memref<32x128xf32, #tpu.memory_space<vmem>>
    %dma_start3A_167 = arith.constant 0 : i32
    %dma_start3A_168 = tpu.memref_slice %arg2[%dma_start3A_167, %multiple_of3A_155] : memref<32x1000000xf32, #tpu.memory_space<hbm>> -> memref<32x128xf32, #tpu.memory_space<hbm>>
    tpu.enqueue_dma source(%dma_start3A_168 : memref<32x128xf32, #tpu.memory_space<hbm>>) target(%dma_start3A_166 : memref<32x128xf32, #tpu.memory_space<vmem>>) target_semaphore(%arg18 : memref<!tpu.dma_semaphore, #tpu.memory_space<semaphore_mem>>)
    %slice3A_169 = vector.extract_strided_slice %and3A_12 {offsets = [10], sizes = [1], strides = [1]} : vector<16xi32> to vector<1xi32>
    %squeeze3A_170 = vector.extract %slice3A_169[0] : i32 from vector<1xi32>
    %multiple_of3A_171 = tpu.assume_multiple %squeeze3A_170, 128 : i32
    %dma_start3A_172 = arith.constant 10 : i32
    %dma_start3A_173 = arith.constant 0 : i32
    %dma_start3A_174 = arith.constant 0 : i32
    %dma_start3A_175 = tpu.memref_slice %arg7[%dma_start3A_172, %dma_start3A_173, %dma_start3A_174] : memref<16x32x128xf32, #tpu.memory_space<vmem>> -> memref<1x32x128xf32, #tpu.memory_space<vmem>>
    %dma_start3A_176 = tpu.memref_squeeze %dma_start3A_175 : memref<1x32x128xf32, #tpu.memory_space<vmem>> -> memref<32x128xf32, #tpu.memory_space<vmem>>
    %dma_start3A_177 = arith.constant 0 : i32
    %dma_start3A_178 = tpu.memref_slice %arg2[%dma_start3A_177, %multiple_of3A_171] : memref<32x1000000xf32, #tpu.memory_space<hbm>> -> memref<32x128xf32, #tpu.memory_space<hbm>>
    %dma_start3A_179 = arith.constant 0 : i32
    %dma_start3A_180 = arith.constant 0 : i32
    %dma_start3A_181 = tpu.memref_slice %arg7[%dma_start3A_172, %dma_start3A_179, %dma_start3A_180] : memref<16x32x128xf32, #tpu.memory_space<vmem>> -> memref<1x32x128xf32, #tpu.memory_space<vmem>>
    %dma_start3A_182 = tpu.memref_squeeze %dma_start3A_181 : memref<1x32x128xf32, #tpu.memory_space<vmem>> -> memref<32x128xf32, #tpu.memory_space<vmem>>
    %dma_start3A_183 = arith.constant 0 : i32
    %dma_start3A_184 = tpu.memref_slice %arg2[%dma_start3A_183, %multiple_of3A_171] : memref<32x1000000xf32, #tpu.memory_space<hbm>> -> memref<32x128xf32, #tpu.memory_space<hbm>>
    tpu.enqueue_dma source(%dma_start3A_184 : memref<32x128xf32, #tpu.memory_space<hbm>>) target(%dma_start3A_182 : memref<32x128xf32, #tpu.memory_space<vmem>>) target_semaphore(%arg19 : memref<!tpu.dma_semaphore, #tpu.memory_space<semaphore_mem>>)
    %slice3A_185 = vector.extract_strided_slice %and3A_12 {offsets = [11], sizes = [1], strides = [1]} : vector<16xi32> to vector<1xi32>
    %squeeze3A_186 = vector.extract %slice3A_185[0] : i32 from vector<1xi32>
    %multiple_of3A_187 = tpu.assume_multiple %squeeze3A_186, 128 : i32
    %dma_start3A_188 = arith.constant 11 : i32
    %dma_start3A_189 = arith.constant 0 : i32
    %dma_start3A_190 = arith.constant 0 : i32
    %dma_start3A_191 = tpu.memref_slice %arg7[%dma_start3A_188, %dma_start3A_189, %dma_start3A_190] : memref<16x32x128xf32, #tpu.memory_space<vmem>> -> memref<1x32x128xf32, #tpu.memory_space<vmem>>
    %dma_start3A_192 = tpu.memref_squeeze %dma_start3A_191 : memref<1x32x128xf32, #tpu.memory_space<vmem>> -> memref<32x128xf32, #tpu.memory_space<vmem>>
    %dma_start3A_193 = arith.constant 0 : i32
    %dma_start3A_194 = tpu.memref_slice %arg2[%dma_start3A_193, %multiple_of3A_187] : memref<32x1000000xf32, #tpu.memory_space<hbm>> -> memref<32x128xf32, #tpu.memory_space<hbm>>
    %dma_start3A_195 = arith.constant 0 : i32
    %dma_start3A_196 = arith.constant 0 : i32
    %dma_start3A_197 = tpu.memref_slice %arg7[%dma_start3A_188, %dma_start3A_195, %dma_start3A_196] : memref<16x32x128xf32, #tpu.memory_space<vmem>> -> memref<1x32x128xf32, #tpu.memory_space<vmem>>
    %dma_start3A_198 = tpu.memref_squeeze %dma_start3A_197 : memref<1x32x128xf32, #tpu.memory_space<vmem>> -> memref<32x128xf32, #tpu.memory_space<vmem>>
    %dma_start3A_199 = arith.constant 0 : i32
    %dma_start3A_200 = tpu.memref_slice %arg2[%dma_start3A_199, %multiple_of3A_187] : memref<32x1000000xf32, #tpu.memory_space<hbm>> -> memref<32x128xf32, #tpu.memory_space<hbm>>
    tpu.enqueue_dma source(%dma_start3A_200 : memref<32x128xf32, #tpu.memory_space<hbm>>) target(%dma_start3A_198 : memref<32x128xf32, #tpu.memory_space<vmem>>) target_semaphore(%arg20 : memref<!tpu.dma_semaphore, #tpu.memory_space<semaphore_mem>>)
    %slice3A_201 = vector.extract_strided_slice %and3A_12 {offsets = [12], sizes = [1], strides = [1]} : vector<16xi32> to vector<1xi32>
    %squeeze3A_202 = vector.extract %slice3A_201[0] : i32 from vector<1xi32>
    %multiple_of3A_203 = tpu.assume_multiple %squeeze3A_202, 128 : i32
    %dma_start3A_204 = arith.constant 12 : i32
    %dma_start3A_205 = arith.constant 0 : i32
    %dma_start3A_206 = arith.constant 0 : i32
    %dma_start3A_207 = tpu.memref_slice %arg7[%dma_start3A_204, %dma_start3A_205, %dma_start3A_206] : memref<16x32x128xf32, #tpu.memory_space<vmem>> -> memref<1x32x128xf32, #tpu.memory_space<vmem>>
    %dma_start3A_208 = tpu.memref_squeeze %dma_start3A_207 : memref<1x32x128xf32, #tpu.memory_space<vmem>> -> memref<32x128xf32, #tpu.memory_space<vmem>>
    %dma_start3A_209 = arith.constant 0 : i32
    %dma_start3A_210 = tpu.memref_slice %arg2[%dma_start3A_209, %multiple_of3A_203] : memref<32x1000000xf32, #tpu.memory_space<hbm>> -> memref<32x128xf32, #tpu.memory_space<hbm>>
    %dma_start3A_211 = arith.constant 0 : i32
    %dma_start3A_212 = arith.constant 0 : i32
    %dma_start3A_213 = tpu.memref_slice %arg7[%dma_start3A_204, %dma_start3A_211, %dma_start3A_212] : memref<16x32x128xf32, #tpu.memory_space<vmem>> -> memref<1x32x128xf32, #tpu.memory_space<vmem>>
    %dma_start3A_214 = tpu.memref_squeeze %dma_start3A_213 : memref<1x32x128xf32, #tpu.memory_space<vmem>> -> memref<32x128xf32, #tpu.memory_space<vmem>>
    %dma_start3A_215 = arith.constant 0 : i32
    %dma_start3A_216 = tpu.memref_slice %arg2[%dma_start3A_215, %multiple_of3A_203] : memref<32x1000000xf32, #tpu.memory_space<hbm>> -> memref<32x128xf32, #tpu.memory_space<hbm>>
    tpu.enqueue_dma source(%dma_start3A_216 : memref<32x128xf32, #tpu.memory_space<hbm>>) target(%dma_start3A_214 : memref<32x128xf32, #tpu.memory_space<vmem>>) target_semaphore(%arg21 : memref<!tpu.dma_semaphore, #tpu.memory_space<semaphore_mem>>)
    %slice3A_217 = vector.extract_strided_slice %and3A_12 {offsets = [13], sizes = [1], strides = [1]} : vector<16xi32> to vector<1xi32>
    %squeeze3A_218 = vector.extract %slice3A_217[0] : i32 from vector<1xi32>
    %multiple_of3A_219 = tpu.assume_multiple %squeeze3A_218, 128 : i32
    %dma_start3A_220 = arith.constant 13 : i32
    %dma_start3A_221 = arith.constant 0 : i32
    %dma_start3A_222 = arith.constant 0 : i32
    %dma_start3A_223 = tpu.memref_slice %arg7[%dma_start3A_220, %dma_start3A_221, %dma_start3A_222] : memref<16x32x128xf32, #tpu.memory_space<vmem>> -> memref<1x32x128xf32, #tpu.memory_space<vmem>>
    %dma_start3A_224 = tpu.memref_squeeze %dma_start3A_223 : memref<1x32x128xf32, #tpu.memory_space<vmem>> -> memref<32x128xf32, #tpu.memory_space<vmem>>
    %dma_start3A_225 = arith.constant 0 : i32
    %dma_start3A_226 = tpu.memref_slice %arg2[%dma_start3A_225, %multiple_of3A_219] : memref<32x1000000xf32, #tpu.memory_space<hbm>> -> memref<32x128xf32, #tpu.memory_space<hbm>>
    %dma_start3A_227 = arith.constant 0 : i32
    %dma_start3A_228 = arith.constant 0 : i32
    %dma_start3A_229 = tpu.memref_slice %arg7[%dma_start3A_220, %dma_start3A_227, %dma_start3A_228] : memref<16x32x128xf32, #tpu.memory_space<vmem>> -> memref<1x32x128xf32, #tpu.memory_space<vmem>>
    %dma_start3A_230 = tpu.memref_squeeze %dma_start3A_229 : memref<1x32x128xf32, #tpu.memory_space<vmem>> -> memref<32x128xf32, #tpu.memory_space<vmem>>
    %dma_start3A_231 = arith.constant 0 : i32
    %dma_start3A_232 = tpu.memref_slice %arg2[%dma_start3A_231, %multiple_of3A_219] : memref<32x1000000xf32, #tpu.memory_space<hbm>> -> memref<32x128xf32, #tpu.memory_space<hbm>>
    tpu.enqueue_dma source(%dma_start3A_232 : memref<32x128xf32, #tpu.memory_space<hbm>>) target(%dma_start3A_230 : memref<32x128xf32, #tpu.memory_space<vmem>>) target_semaphore(%arg22 : memref<!tpu.dma_semaphore, #tpu.memory_space<semaphore_mem>>)
    %slice3A_233 = vector.extract_strided_slice %and3A_12 {offsets = [14], sizes = [1], strides = [1]} : vector<16xi32> to vector<1xi32>
    %squeeze3A_234 = vector.extract %slice3A_233[0] : i32 from vector<1xi32>
    %multiple_of3A_235 = tpu.assume_multiple %squeeze3A_234, 128 : i32
    %dma_start3A_236 = arith.constant 14 : i32
    %dma_start3A_237 = arith.constant 0 : i32
    %dma_start3A_238 = arith.constant 0 : i32
    %dma_start3A_239 = tpu.memref_slice %arg7[%dma_start3A_236, %dma_start3A_237, %dma_start3A_238] : memref<16x32x128xf32, #tpu.memory_space<vmem>> -> memref<1x32x128xf32, #tpu.memory_space<vmem>>
    %dma_start3A_240 = tpu.memref_squeeze %dma_start3A_239 : memref<1x32x128xf32, #tpu.memory_space<vmem>> -> memref<32x128xf32, #tpu.memory_space<vmem>>
    %dma_start3A_241 = arith.constant 0 : i32
    %dma_start3A_242 = tpu.memref_slice %arg2[%dma_start3A_241, %multiple_of3A_235] : memref<32x1000000xf32, #tpu.memory_space<hbm>> -> memref<32x128xf32, #tpu.memory_space<hbm>>
    %dma_start3A_243 = arith.constant 0 : i32
    %dma_start3A_244 = arith.constant 0 : i32
    %dma_start3A_245 = tpu.memref_slice %arg7[%dma_start3A_236, %dma_start3A_243, %dma_start3A_244] : memref<16x32x128xf32, #tpu.memory_space<vmem>> -> memref<1x32x128xf32, #tpu.memory_space<vmem>>
    %dma_start3A_246 = tpu.memref_squeeze %dma_start3A_245 : memref<1x32x128xf32, #tpu.memory_space<vmem>> -> memref<32x128xf32, #tpu.memory_space<vmem>>
    %dma_start3A_247 = arith.constant 0 : i32
    %dma_start3A_248 = tpu.memref_slice %arg2[%dma_start3A_247, %multiple_of3A_235] : memref<32x1000000xf32, #tpu.memory_space<hbm>> -> memref<32x128xf32, #tpu.memory_space<hbm>>
    tpu.enqueue_dma source(%dma_start3A_248 : memref<32x128xf32, #tpu.memory_space<hbm>>) target(%dma_start3A_246 : memref<32x128xf32, #tpu.memory_space<vmem>>) target_semaphore(%arg23 : memref<!tpu.dma_semaphore, #tpu.memory_space<semaphore_mem>>)
    %slice3A_249 = vector.extract_strided_slice %and3A_12 {offsets = [15], sizes = [1], strides = [1]} : vector<16xi32> to vector<1xi32>
    %squeeze3A_250 = vector.extract %slice3A_249[0] : i32 from vector<1xi32>
    %multiple_of3A_251 = tpu.assume_multiple %squeeze3A_250, 128 : i32
    %dma_start3A_252 = arith.constant 15 : i32
    %dma_start3A_253 = arith.constant 0 : i32
    %dma_start3A_254 = arith.constant 0 : i32
    %dma_start3A_255 = tpu.memref_slice %arg7[%dma_start3A_252, %dma_start3A_253, %dma_start3A_254] : memref<16x32x128xf32, #tpu.memory_space<vmem>> -> memref<1x32x128xf32, #tpu.memory_space<vmem>>
    %dma_start3A_256 = tpu.memref_squeeze %dma_start3A_255 : memref<1x32x128xf32, #tpu.memory_space<vmem>> -> memref<32x128xf32, #tpu.memory_space<vmem>>
    %dma_start3A_257 = arith.constant 0 : i32
    %dma_start3A_258 = tpu.memref_slice %arg2[%dma_start3A_257, %multiple_of3A_251] : memref<32x1000000xf32, #tpu.memory_space<hbm>> -> memref<32x128xf32, #tpu.memory_space<hbm>>
    %dma_start3A_259 = arith.constant 0 : i32
    %dma_start3A_260 = arith.constant 0 : i32
    %dma_start3A_261 = tpu.memref_slice %arg7[%dma_start3A_252, %dma_start3A_259, %dma_start3A_260] : memref<16x32x128xf32, #tpu.memory_space<vmem>> -> memref<1x32x128xf32, #tpu.memory_space<vmem>>
    %dma_start3A_262 = tpu.memref_squeeze %dma_start3A_261 : memref<1x32x128xf32, #tpu.memory_space<vmem>> -> memref<32x128xf32, #tpu.memory_space<vmem>>
    %dma_start3A_263 = arith.constant 0 : i32
    %dma_start3A_264 = tpu.memref_slice %arg2[%dma_start3A_263, %multiple_of3A_251] : memref<32x1000000xf32, #tpu.memory_space<hbm>> -> memref<32x128xf32, #tpu.memory_space<hbm>>
    tpu.enqueue_dma source(%dma_start3A_264 : memref<32x128xf32, #tpu.memory_space<hbm>>) target(%dma_start3A_262 : memref<32x128xf32, #tpu.memory_space<vmem>>) target_semaphore(%arg24 : memref<!tpu.dma_semaphore, #tpu.memory_space<semaphore_mem>>)
    %scan3A = arith.constant 0 : i32
    %scan3A_265 = arith.constant 0 : i32
    %scan3A_266 = arith.constant 32 : i32
    %scan3A_267 = arith.addi %scan3A_265, %scan3A_266 : i32
    %scan3A_268 = arith.constant 1 : i32
    scf.for %scan3A_285 = %scan3A_265 to %scan3A_267 step %scan3A_268  : i32 {
      %mul3A_286 = arith.constant 16 : i32
      %mul3A_287 = arith.muli %scan3A_285, %mul3A_286 : i32
      %get3A_288 = arith.index_cast %mul3A_287 : i32 to index
      %get3A_289 = tpu.vector_load %arg6[%get3A_288] {strides = array<i32>} : memref<528xi32, #tpu.memory_space<vmem>>, vector<16xi32>,
      %and3A_290 = arith.constant 127 : i32
      %and3A_291 = vector.broadcast %and3A_290 : i32 to vector<16xi32>
      %and3A_292 = arith.andi %get3A_289, %and3A_291 : vector<16xi32>
      %add3A_293 = arith.constant 1 : i32
      %add3A_294 = arith.addi %scan3A_285, %add3A_293 : i32
      %mul3A_295 = arith.constant 16 : i32
      %mul3A_296 = arith.muli %add3A_294, %mul3A_295 : i32
      %get3A_297 = arith.index_cast %mul3A_296 : i32 to index
      %get3A_298 = tpu.vector_load %arg6[%get3A_297] {strides = array<i32>} : memref<528xi32, #tpu.memory_space<vmem>>, vector<16xi32>,
      %and3A_299 = arith.constant -128 : i32
      %and3A_300 = vector.broadcast %and3A_299 : i32 to vector<16xi32>
      %and3A_301 = arith.andi %get3A_298, %and3A_300 : vector<16xi32>
      %dma_wait3A_302 = arith.constant 0 : i32
      %dma_wait3A_303 = arith.constant 0 : i32
      %dma_wait3A_304 = arith.constant 0 : i32
      %dma_wait3A_305 = tpu.memref_slice %arg7[%dma_wait3A_302, %dma_wait3A_303, %dma_wait3A_304] : memref<16x32x128xf32, #tpu.memory_space<vmem>> -> memref<1x32x128xf32, #tpu.memory_space<vmem>>
      %dma_wait3A_306 = tpu.memref_squeeze %dma_wait3A_305 : memref<1x32x128xf32, #tpu.memory_space<vmem>> -> memref<32x128xf32, #tpu.memory_space<vmem>>
      %dma_wait3A_307 = arith.constant 0 : i32
      %dma_wait3A_308 = arith.constant 0 : i32
      %dma_wait3A_309 = tpu.memref_slice %arg2[%dma_wait3A_307, %dma_wait3A_308] : memref<32x1000000xf32, #tpu.memory_space<hbm>> -> memref<32x128xf32, #tpu.memory_space<hbm>>
      %dma_wait3A_310 = arith.constant 0 : i32
      %dma_wait3A_311 = arith.constant 0 : i32
      %dma_wait3A_312 = tpu.memref_slice %arg7[%dma_wait3A_302, %dma_wait3A_310, %dma_wait3A_311] : memref<16x32x128xf32, #tpu.memory_space<vmem>> -> memref<1x32x128xf32, #tpu.memory_space<vmem>>
      %dma_wait3A_313 = tpu.memref_squeeze %dma_wait3A_312 : memref<1x32x128xf32, #tpu.memory_space<vmem>> -> memref<32x128xf32, #tpu.memory_space<vmem>>
      %dma_wait3A_314 = arith.constant 0 : i32
      %dma_wait3A_315 = arith.constant 0 : i32
      %dma_wait3A_316 = tpu.memref_slice %arg2[%dma_wait3A_314, %dma_wait3A_315] : memref<32x1000000xf32, #tpu.memory_space<hbm>> -> memref<32x128xf32, #tpu.memory_space<hbm>>
      tpu.wait_dma2 semaphore(%arg9 : memref<!tpu.dma_semaphore, #tpu.memory_space<semaphore_mem>>) src(%dma_wait3A_316 : memref<32x128xf32, #tpu.memory_space<hbm>>) dst(%dma_wait3A_313 : memref<32x128xf32, #tpu.memory_space<vmem>>)
      %slice3A_317 = vector.extract_strided_slice %and3A_292 {offsets = [0], sizes = [1], strides = [1]} : vector<16xi32> to vector<1xi32>
      %squeeze3A_318 = vector.extract %slice3A_317[0] : i32 from vector<1xi32>
      %broadcast_in_dim3A = vector.broadcast %squeeze3A_318 : i32 to vector<16xi32>
      %mul3A_319 = arith.constant 16 : i32
      %mul3A_320 = arith.muli %scan3A_285, %mul3A_319 : i32
      %add3A_321 = arith.constant 0 : i32
      %add3A_322 = arith.addi %mul3A_320, %add3A_321 : i32
      %broadcast_in_dim3A_323 = vector.broadcast %add3A_322 : i32 to vector<16xi32>
      %gather3A = arith.constant 0 : i32
      %gather3A_324 = arith.constant 0 : i32
      %gather3A_325 = arith.constant 0 : i32
      %gather3A_326 = tpu.memref_slice %arg7[%gather3A, %gather3A_324, %gather3A_325] : memref<16x32x128xf32, #tpu.memory_space<vmem>> -> memref<1x32x128xf32, #tpu.memory_space<vmem>>
      %gather3A_327 = tpu.memref_squeeze %gather3A_326 : memref<1x32x128xf32, #tpu.memory_space<vmem>> -> memref<32x128xf32, #tpu.memory_space<vmem>>
      %gather3A_328 = tpu.vector_load_idx %gather3A_327[%add3A_5, %broadcast_in_dim3A] : memref<32x128xf32, #tpu.memory_space<vmem>>[vector<16xi32>, vector<16xi32>], vector<16xf32>,
      tpu.vector_store_idx %arg8[%add3A_5, %broadcast_in_dim3A_323], %gather3A_328 : memref<32x512xf32, #tpu.memory_space<vmem>>[vector<16xi32>, vector<16xi32>], vector<16xf32>,
      %gather3A_329 = arith.constant 0 : i32
      %gather3A_330 = arith.constant 0 : i32
      %gather3A_331 = arith.constant 0 : i32
      %gather3A_332 = tpu.memref_slice %arg7[%gather3A_329, %gather3A_330, %gather3A_331] : memref<16x32x128xf32, #tpu.memory_space<vmem>> -> memref<1x32x128xf32, #tpu.memory_space<vmem>>
      %gather3A_333 = tpu.memref_squeeze %gather3A_332 : memref<1x32x128xf32, #tpu.memory_space<vmem>> -> memref<32x128xf32, #tpu.memory_space<vmem>>
      %gather3A_334 = tpu.vector_load_idx %gather3A_333[%add3A_9, %broadcast_in_dim3A] : memref<32x128xf32, #tpu.memory_space<vmem>>[vector<16xi32>, vector<16xi32>], vector<16xf32>,
      tpu.vector_store_idx %arg8[%add3A_9, %broadcast_in_dim3A_323], %gather3A_334 : memref<32x512xf32, #tpu.memory_space<vmem>>[vector<16xi32>, vector<16xi32>], vector<16xf32>,
      %add3A_335 = arith.constant 1 : i32
      %add3A_336 = arith.addi %scan3A_285, %add3A_335 : i32
      %lt3A = arith.constant 32 : i32
      %lt3A_337 = arith.cmpi slt, %add3A_336, %lt3A : i32
      %convert_element_type3A = arith.extui %lt3A_337 : i1 to i32
      %cond3A = arith.constant 0 : i32
      %cond3A_338 = arith.cmpi ne, %convert_element_type3A, %cond3A : i32
      scf.if %cond3A_338 {
        %slice3A_969 = vector.extract_strided_slice %and3A_301 {offsets = [0], sizes = [1], strides = [1]} : vector<16xi32> to vector<1xi32>
        %squeeze3A_970 = vector.extract %slice3A_969[0] : i32 from vector<1xi32>
        %multiple_of3A_971 = tpu.assume_multiple %squeeze3A_970, 128 : i32
        %dma_start3A_972 = arith.constant 0 : i32
        %dma_start3A_973 = arith.constant 0 : i32
        %dma_start3A_974 = arith.constant 0 : i32
        %dma_start3A_975 = tpu.memref_slice %arg7[%dma_start3A_972, %dma_start3A_973, %dma_start3A_974] : memref<16x32x128xf32, #tpu.memory_space<vmem>> -> memref<1x32x128xf32, #tpu.memory_space<vmem>>
        %dma_start3A_976 = tpu.memref_squeeze %dma_start3A_975 : memref<1x32x128xf32, #tpu.memory_space<vmem>> -> memref<32x128xf32, #tpu.memory_space<vmem>>
        %dma_start3A_977 = arith.constant 0 : i32
        %dma_start3A_978 = tpu.memref_slice %arg2[%dma_start3A_977, %multiple_of3A_971] : memref<32x1000000xf32, #tpu.memory_space<hbm>> -> memref<32x128xf32, #tpu.memory_space<hbm>>
        %dma_start3A_979 = arith.constant 0 : i32
        %dma_start3A_980 = arith.constant 0 : i32
        %dma_start3A_981 = tpu.memref_slice %arg7[%dma_start3A_972, %dma_start3A_979, %dma_start3A_980] : memref<16x32x128xf32, #tpu.memory_space<vmem>> -> memref<1x32x128xf32, #tpu.memory_space<vmem>>
        %dma_start3A_982 = tpu.memref_squeeze %dma_start3A_981 : memref<1x32x128xf32, #tpu.memory_space<vmem>> -> memref<32x128xf32, #tpu.memory_space<vmem>>
        %dma_start3A_983 = arith.constant 0 : i32
        %dma_start3A_984 = tpu.memref_slice %arg2[%dma_start3A_983, %multiple_of3A_971] : memref<32x1000000xf32, #tpu.memory_space<hbm>> -> memref<32x128xf32, #tpu.memory_space<hbm>>
        tpu.enqueue_dma source(%dma_start3A_984 : memref<32x128xf32, #tpu.memory_space<hbm>>) target(%dma_start3A_982 : memref<32x128xf32, #tpu.memory_space<vmem>>) target_semaphore(%arg9 : memref<!tpu.dma_semaphore, #tpu.memory_space<semaphore_mem>>)
      } else {
      }
      %dma_wait3A_339 = arith.constant 1 : i32
      %dma_wait3A_340 = arith.constant 0 : i32
      %dma_wait3A_341 = arith.constant 0 : i32
      %dma_wait3A_342 = tpu.memref_slice %arg7[%dma_wait3A_339, %dma_wait3A_340, %dma_wait3A_341] : memref<16x32x128xf32, #tpu.memory_space<vmem>> -> memref<1x32x128xf32, #tpu.memory_space<vmem>>
      %dma_wait3A_343 = tpu.memref_squeeze %dma_wait3A_342 : memref<1x32x128xf32, #tpu.memory_space<vmem>> -> memref<32x128xf32, #tpu.memory_space<vmem>>
      %dma_wait3A_344 = arith.constant 0 : i32
      %dma_wait3A_345 = arith.constant 0 : i32
      %dma_wait3A_346 = tpu.memref_slice %arg2[%dma_wait3A_344, %dma_wait3A_345] : memref<32x1000000xf32, #tpu.memory_space<hbm>> -> memref<32x128xf32, #tpu.memory_space<hbm>>
      %dma_wait3A_347 = arith.constant 0 : i32
      %dma_wait3A_348 = arith.constant 0 : i32
      %dma_wait3A_349 = tpu.memref_slice %arg7[%dma_wait3A_339, %dma_wait3A_347, %dma_wait3A_348] : memref<16x32x128xf32, #tpu.memory_space<vmem>> -> memref<1x32x128xf32, #tpu.memory_space<vmem>>
      %dma_wait3A_350 = tpu.memref_squeeze %dma_wait3A_349 : memref<1x32x128xf32, #tpu.memory_space<vmem>> -> memref<32x128xf32, #tpu.memory_space<vmem>>
      %dma_wait3A_351 = arith.constant 0 : i32
      %dma_wait3A_352 = arith.constant 0 : i32
      %dma_wait3A_353 = tpu.memref_slice %arg2[%dma_wait3A_351, %dma_wait3A_352] : memref<32x1000000xf32, #tpu.memory_space<hbm>> -> memref<32x128xf32, #tpu.memory_space<hbm>>
      tpu.wait_dma2 semaphore(%arg10 : memref<!tpu.dma_semaphore, #tpu.memory_space<semaphore_mem>>) src(%dma_wait3A_353 : memref<32x128xf32, #tpu.memory_space<hbm>>) dst(%dma_wait3A_350 : memref<32x128xf32, #tpu.memory_space<vmem>>)
      %slice3A_354 = vector.extract_strided_slice %and3A_292 {offsets = [1], sizes = [1], strides = [1]} : vector<16xi32> to vector<1xi32>
      %squeeze3A_355 = vector.extract %slice3A_354[0] : i32 from vector<1xi32>
      %broadcast_in_dim3A_356 = vector.broadcast %squeeze3A_355 : i32 to vector<16xi32>
      %mul3A_357 = arith.constant 16 : i32
      %mul3A_358 = arith.muli %scan3A_285, %mul3A_357 : i32
      %add3A_359 = arith.constant 1 : i32
      %add3A_360 = arith.addi %mul3A_358, %add3A_359 : i32
      %broadcast_in_dim3A_361 = vector.broadcast %add3A_360 : i32 to vector<16xi32>
      %gather3A_362 = arith.constant 1 : i32
      %gather3A_363 = arith.constant 0 : i32
      %gather3A_364 = arith.constant 0 : i32
      %gather3A_365 = tpu.memref_slice %arg7[%gather3A_362, %gather3A_363, %gather3A_364] : memref<16x32x128xf32, #tpu.memory_space<vmem>> -> memref<1x32x128xf32, #tpu.memory_space<vmem>>
      %gather3A_366 = tpu.memref_squeeze %gather3A_365 : memref<1x32x128xf32, #tpu.memory_space<vmem>> -> memref<32x128xf32, #tpu.memory_space<vmem>>
      %gather3A_367 = tpu.vector_load_idx %gather3A_366[%add3A_5, %broadcast_in_dim3A_356] : memref<32x128xf32, #tpu.memory_space<vmem>>[vector<16xi32>, vector<16xi32>], vector<16xf32>,
      tpu.vector_store_idx %arg8[%add3A_5, %broadcast_in_dim3A_361], %gather3A_367 : memref<32x512xf32, #tpu.memory_space<vmem>>[vector<16xi32>, vector<16xi32>], vector<16xf32>,
      %gather3A_368 = arith.constant 1 : i32
      %gather3A_369 = arith.constant 0 : i32
      %gather3A_370 = arith.constant 0 : i32
      %gather3A_371 = tpu.memref_slice %arg7[%gather3A_368, %gather3A_369, %gather3A_370] : memref<16x32x128xf32, #tpu.memory_space<vmem>> -> memref<1x32x128xf32, #tpu.memory_space<vmem>>
      %gather3A_372 = tpu.memref_squeeze %gather3A_371 : memref<1x32x128xf32, #tpu.memory_space<vmem>> -> memref<32x128xf32, #tpu.memory_space<vmem>>
      %gather3A_373 = tpu.vector_load_idx %gather3A_372[%add3A_9, %broadcast_in_dim3A_356] : memref<32x128xf32, #tpu.memory_space<vmem>>[vector<16xi32>, vector<16xi32>], vector<16xf32>,
      tpu.vector_store_idx %arg8[%add3A_9, %broadcast_in_dim3A_361], %gather3A_373 : memref<32x512xf32, #tpu.memory_space<vmem>>[vector<16xi32>, vector<16xi32>], vector<16xf32>,
      %add3A_374 = arith.constant 1 : i32
      %add3A_375 = arith.addi %scan3A_285, %add3A_374 : i32
      %lt3A_376 = arith.constant 32 : i32
      %lt3A_377 = arith.cmpi slt, %add3A_375, %lt3A_376 : i32
      %convert_element_type3A_378 = arith.extui %lt3A_377 : i1 to i32
      %cond3A_379 = arith.constant 0 : i32
      %cond3A_380 = arith.cmpi ne, %convert_element_type3A_378, %cond3A_379 : i32
      scf.if %cond3A_380 {
        %slice3A_969 = vector.extract_strided_slice %and3A_301 {offsets = [1], sizes = [1], strides = [1]} : vector<16xi32> to vector<1xi32>
        %squeeze3A_970 = vector.extract %slice3A_969[0] : i32 from vector<1xi32>
        %multiple_of3A_971 = tpu.assume_multiple %squeeze3A_970, 128 : i32
        %dma_start3A_972 = arith.constant 1 : i32
        %dma_start3A_973 = arith.constant 0 : i32
        %dma_start3A_974 = arith.constant 0 : i32
        %dma_start3A_975 = tpu.memref_slice %arg7[%dma_start3A_972, %dma_start3A_973, %dma_start3A_974] : memref<16x32x128xf32, #tpu.memory_space<vmem>> -> memref<1x32x128xf32, #tpu.memory_space<vmem>>
        %dma_start3A_976 = tpu.memref_squeeze %dma_start3A_975 : memref<1x32x128xf32, #tpu.memory_space<vmem>> -> memref<32x128xf32, #tpu.memory_space<vmem>>
        %dma_start3A_977 = arith.constant 0 : i32
        %dma_start3A_978 = tpu.memref_slice %arg2[%dma_start3A_977, %multiple_of3A_971] : memref<32x1000000xf32, #tpu.memory_space<hbm>> -> memref<32x128xf32, #tpu.memory_space<hbm>>
        %dma_start3A_979 = arith.constant 0 : i32
        %dma_start3A_980 = arith.constant 0 : i32
        %dma_start3A_981 = tpu.memref_slice %arg7[%dma_start3A_972, %dma_start3A_979, %dma_start3A_980] : memref<16x32x128xf32, #tpu.memory_space<vmem>> -> memref<1x32x128xf32, #tpu.memory_space<vmem>>
        %dma_start3A_982 = tpu.memref_squeeze %dma_start3A_981 : memref<1x32x128xf32, #tpu.memory_space<vmem>> -> memref<32x128xf32, #tpu.memory_space<vmem>>
        %dma_start3A_983 = arith.constant 0 : i32
        %dma_start3A_984 = tpu.memref_slice %arg2[%dma_start3A_983, %multiple_of3A_971] : memref<32x1000000xf32, #tpu.memory_space<hbm>> -> memref<32x128xf32, #tpu.memory_space<hbm>>
        tpu.enqueue_dma source(%dma_start3A_984 : memref<32x128xf32, #tpu.memory_space<hbm>>) target(%dma_start3A_982 : memref<32x128xf32, #tpu.memory_space<vmem>>) target_semaphore(%arg10 : memref<!tpu.dma_semaphore, #tpu.memory_space<semaphore_mem>>)
      } else {
      }
      %dma_wait3A_381 = arith.constant 2 : i32
      %dma_wait3A_382 = arith.constant 0 : i32
      %dma_wait3A_383 = arith.constant 0 : i32
      %dma_wait3A_384 = tpu.memref_slice %arg7[%dma_wait3A_381, %dma_wait3A_382, %dma_wait3A_383] : memref<16x32x128xf32, #tpu.memory_space<vmem>> -> memref<1x32x128xf32, #tpu.memory_space<vmem>>
      %dma_wait3A_385 = tpu.memref_squeeze %dma_wait3A_384 : memref<1x32x128xf32, #tpu.memory_space<vmem>> -> memref<32x128xf32, #tpu.memory_space<vmem>>
      %dma_wait3A_386 = arith.constant 0 : i32
      %dma_wait3A_387 = arith.constant 0 : i32
      %dma_wait3A_388 = tpu.memref_slice %arg2[%dma_wait3A_386, %dma_wait3A_387] : memref<32x1000000xf32, #tpu.memory_space<hbm>> -> memref<32x128xf32, #tpu.memory_space<hbm>>
      %dma_wait3A_389 = arith.constant 0 : i32
      %dma_wait3A_390 = arith.constant 0 : i32
      %dma_wait3A_391 = tpu.memref_slice %arg7[%dma_wait3A_381, %dma_wait3A_389, %dma_wait3A_390] : memref<16x32x128xf32, #tpu.memory_space<vmem>> -> memref<1x32x128xf32, #tpu.memory_space<vmem>>
      %dma_wait3A_392 = tpu.memref_squeeze %dma_wait3A_391 : memref<1x32x128xf32, #tpu.memory_space<vmem>> -> memref<32x128xf32, #tpu.memory_space<vmem>>
      %dma_wait3A_393 = arith.constant 0 : i32
      %dma_wait3A_394 = arith.constant 0 : i32
      %dma_wait3A_395 = tpu.memref_slice %arg2[%dma_wait3A_393, %dma_wait3A_394] : memref<32x1000000xf32, #tpu.memory_space<hbm>> -> memref<32x128xf32, #tpu.memory_space<hbm>>
      tpu.wait_dma2 semaphore(%arg11 : memref<!tpu.dma_semaphore, #tpu.memory_space<semaphore_mem>>) src(%dma_wait3A_395 : memref<32x128xf32, #tpu.memory_space<hbm>>) dst(%dma_wait3A_392 : memref<32x128xf32, #tpu.memory_space<vmem>>)
      %slice3A_396 = vector.extract_strided_slice %and3A_292 {offsets = [2], sizes = [1], strides = [1]} : vector<16xi32> to vector<1xi32>
      %squeeze3A_397 = vector.extract %slice3A_396[0] : i32 from vector<1xi32>
      %broadcast_in_dim3A_398 = vector.broadcast %squeeze3A_397 : i32 to vector<16xi32>
      %mul3A_399 = arith.constant 16 : i32
      %mul3A_400 = arith.muli %scan3A_285, %mul3A_399 : i32
      %add3A_401 = arith.constant 2 : i32
      %add3A_402 = arith.addi %mul3A_400, %add3A_401 : i32
      %broadcast_in_dim3A_403 = vector.broadcast %add3A_402 : i32 to vector<16xi32>
      %gather3A_404 = arith.constant 2 : i32
      %gather3A_405 = arith.constant 0 : i32
      %gather3A_406 = arith.constant 0 : i32
      %gather3A_407 = tpu.memref_slice %arg7[%gather3A_404, %gather3A_405, %gather3A_406] : memref<16x32x128xf32, #tpu.memory_space<vmem>> -> memref<1x32x128xf32, #tpu.memory_space<vmem>>
      %gather3A_408 = tpu.memref_squeeze %gather3A_407 : memref<1x32x128xf32, #tpu.memory_space<vmem>> -> memref<32x128xf32, #tpu.memory_space<vmem>>
      %gather3A_409 = tpu.vector_load_idx %gather3A_408[%add3A_5, %broadcast_in_dim3A_398] : memref<32x128xf32, #tpu.memory_space<vmem>>[vector<16xi32>, vector<16xi32>], vector<16xf32>,
      tpu.vector_store_idx %arg8[%add3A_5, %broadcast_in_dim3A_403], %gather3A_409 : memref<32x512xf32, #tpu.memory_space<vmem>>[vector<16xi32>, vector<16xi32>], vector<16xf32>,
      %gather3A_410 = arith.constant 2 : i32
      %gather3A_411 = arith.constant 0 : i32
      %gather3A_412 = arith.constant 0 : i32
      %gather3A_413 = tpu.memref_slice %arg7[%gather3A_410, %gather3A_411, %gather3A_412] : memref<16x32x128xf32, #tpu.memory_space<vmem>> -> memref<1x32x128xf32, #tpu.memory_space<vmem>>
      %gather3A_414 = tpu.memref_squeeze %gather3A_413 : memref<1x32x128xf32, #tpu.memory_space<vmem>> -> memref<32x128xf32, #tpu.memory_space<vmem>>
      %gather3A_415 = tpu.vector_load_idx %gather3A_414[%add3A_9, %broadcast_in_dim3A_398] : memref<32x128xf32, #tpu.memory_space<vmem>>[vector<16xi32>, vector<16xi32>], vector<16xf32>,
      tpu.vector_store_idx %arg8[%add3A_9, %broadcast_in_dim3A_403], %gather3A_415 : memref<32x512xf32, #tpu.memory_space<vmem>>[vector<16xi32>, vector<16xi32>], vector<16xf32>,
      %add3A_416 = arith.constant 1 : i32
      %add3A_417 = arith.addi %scan3A_285, %add3A_416 : i32
      %lt3A_418 = arith.constant 32 : i32
      %lt3A_419 = arith.cmpi slt, %add3A_417, %lt3A_418 : i32
      %convert_element_type3A_420 = arith.extui %lt3A_419 : i1 to i32
      %cond3A_421 = arith.constant 0 : i32
      %cond3A_422 = arith.cmpi ne, %convert_element_type3A_420, %cond3A_421 : i32
      scf.if %cond3A_422 {
        %slice3A_969 = vector.extract_strided_slice %and3A_301 {offsets = [2], sizes = [1], strides = [1]} : vector<16xi32> to vector<1xi32>
        %squeeze3A_970 = vector.extract %slice3A_969[0] : i32 from vector<1xi32>
        %multiple_of3A_971 = tpu.assume_multiple %squeeze3A_970, 128 : i32
        %dma_start3A_972 = arith.constant 2 : i32
        %dma_start3A_973 = arith.constant 0 : i32
        %dma_start3A_974 = arith.constant 0 : i32
        %dma_start3A_975 = tpu.memref_slice %arg7[%dma_start3A_972, %dma_start3A_973, %dma_start3A_974] : memref<16x32x128xf32, #tpu.memory_space<vmem>> -> memref<1x32x128xf32, #tpu.memory_space<vmem>>
        %dma_start3A_976 = tpu.memref_squeeze %dma_start3A_975 : memref<1x32x128xf32, #tpu.memory_space<vmem>> -> memref<32x128xf32, #tpu.memory_space<vmem>>
        %dma_start3A_977 = arith.constant 0 : i32
        %dma_start3A_978 = tpu.memref_slice %arg2[%dma_start3A_977, %multiple_of3A_971] : memref<32x1000000xf32, #tpu.memory_space<hbm>> -> memref<32x128xf32, #tpu.memory_space<hbm>>
        %dma_start3A_979 = arith.constant 0 : i32
        %dma_start3A_980 = arith.constant 0 : i32
        %dma_start3A_981 = tpu.memref_slice %arg7[%dma_start3A_972, %dma_start3A_979, %dma_start3A_980] : memref<16x32x128xf32, #tpu.memory_space<vmem>> -> memref<1x32x128xf32, #tpu.memory_space<vmem>>
        %dma_start3A_982 = tpu.memref_squeeze %dma_start3A_981 : memref<1x32x128xf32, #tpu.memory_space<vmem>> -> memref<32x128xf32, #tpu.memory_space<vmem>>
        %dma_start3A_983 = arith.constant 0 : i32
        %dma_start3A_984 = tpu.memref_slice %arg2[%dma_start3A_983, %multiple_of3A_971] : memref<32x1000000xf32, #tpu.memory_space<hbm>> -> memref<32x128xf32, #tpu.memory_space<hbm>>
        tpu.enqueue_dma source(%dma_start3A_984 : memref<32x128xf32, #tpu.memory_space<hbm>>) target(%dma_start3A_982 : memref<32x128xf32, #tpu.memory_space<vmem>>) target_semaphore(%arg11 : memref<!tpu.dma_semaphore, #tpu.memory_space<semaphore_mem>>)
      } else {
      }
      %dma_wait3A_423 = arith.constant 3 : i32
      %dma_wait3A_424 = arith.constant 0 : i32
      %dma_wait3A_425 = arith.constant 0 : i32
      %dma_wait3A_426 = tpu.memref_slice %arg7[%dma_wait3A_423, %dma_wait3A_424, %dma_wait3A_425] : memref<16x32x128xf32, #tpu.memory_space<vmem>> -> memref<1x32x128xf32, #tpu.memory_space<vmem>>
      %dma_wait3A_427 = tpu.memref_squeeze %dma_wait3A_426 : memref<1x32x128xf32, #tpu.memory_space<vmem>> -> memref<32x128xf32, #tpu.memory_space<vmem>>
      %dma_wait3A_428 = arith.constant 0 : i32
      %dma_wait3A_429 = arith.constant 0 : i32
      %dma_wait3A_430 = tpu.memref_slice %arg2[%dma_wait3A_428, %dma_wait3A_429] : memref<32x1000000xf32, #tpu.memory_space<hbm>> -> memref<32x128xf32, #tpu.memory_space<hbm>>
      %dma_wait3A_431 = arith.constant 0 : i32
      %dma_wait3A_432 = arith.constant 0 : i32
      %dma_wait3A_433 = tpu.memref_slice %arg7[%dma_wait3A_423, %dma_wait3A_431, %dma_wait3A_432] : memref<16x32x128xf32, #tpu.memory_space<vmem>> -> memref<1x32x128xf32, #tpu.memory_space<vmem>>
      %dma_wait3A_434 = tpu.memref_squeeze %dma_wait3A_433 : memref<1x32x128xf32, #tpu.memory_space<vmem>> -> memref<32x128xf32, #tpu.memory_space<vmem>>
      %dma_wait3A_435 = arith.constant 0 : i32
      %dma_wait3A_436 = arith.constant 0 : i32
      %dma_wait3A_437 = tpu.memref_slice %arg2[%dma_wait3A_435, %dma_wait3A_436] : memref<32x1000000xf32, #tpu.memory_space<hbm>> -> memref<32x128xf32, #tpu.memory_space<hbm>>
      tpu.wait_dma2 semaphore(%arg12 : memref<!tpu.dma_semaphore, #tpu.memory_space<semaphore_mem>>) src(%dma_wait3A_437 : memref<32x128xf32, #tpu.memory_space<hbm>>) dst(%dma_wait3A_434 : memref<32x128xf32, #tpu.memory_space<vmem>>)
      %slice3A_438 = vector.extract_strided_slice %and3A_292 {offsets = [3], sizes = [1], strides = [1]} : vector<16xi32> to vector<1xi32>
      %squeeze3A_439 = vector.extract %slice3A_438[0] : i32 from vector<1xi32>
      %broadcast_in_dim3A_440 = vector.broadcast %squeeze3A_439 : i32 to vector<16xi32>
      %mul3A_441 = arith.constant 16 : i32
      %mul3A_442 = arith.muli %scan3A_285, %mul3A_441 : i32
      %add3A_443 = arith.constant 3 : i32
      %add3A_444 = arith.addi %mul3A_442, %add3A_443 : i32
      %broadcast_in_dim3A_445 = vector.broadcast %add3A_444 : i32 to vector<16xi32>
      %gather3A_446 = arith.constant 3 : i32
      %gather3A_447 = arith.constant 0 : i32
      %gather3A_448 = arith.constant 0 : i32
      %gather3A_449 = tpu.memref_slice %arg7[%gather3A_446, %gather3A_447, %gather3A_448] : memref<16x32x128xf32, #tpu.memory_space<vmem>> -> memref<1x32x128xf32, #tpu.memory_space<vmem>>
      %gather3A_450 = tpu.memref_squeeze %gather3A_449 : memref<1x32x128xf32, #tpu.memory_space<vmem>> -> memref<32x128xf32, #tpu.memory_space<vmem>>
      %gather3A_451 = tpu.vector_load_idx %gather3A_450[%add3A_5, %broadcast_in_dim3A_440] : memref<32x128xf32, #tpu.memory_space<vmem>>[vector<16xi32>, vector<16xi32>], vector<16xf32>,
      tpu.vector_store_idx %arg8[%add3A_5, %broadcast_in_dim3A_445], %gather3A_451 : memref<32x512xf32, #tpu.memory_space<vmem>>[vector<16xi32>, vector<16xi32>], vector<16xf32>,
      %gather3A_452 = arith.constant 3 : i32
      %gather3A_453 = arith.constant 0 : i32
      %gather3A_454 = arith.constant 0 : i32
      %gather3A_455 = tpu.memref_slice %arg7[%gather3A_452, %gather3A_453, %gather3A_454] : memref<16x32x128xf32, #tpu.memory_space<vmem>> -> memref<1x32x128xf32, #tpu.memory_space<vmem>>
      %gather3A_456 = tpu.memref_squeeze %gather3A_455 : memref<1x32x128xf32, #tpu.memory_space<vmem>> -> memref<32x128xf32, #tpu.memory_space<vmem>>
      %gather3A_457 = tpu.vector_load_idx %gather3A_456[%add3A_9, %broadcast_in_dim3A_440] : memref<32x128xf32, #tpu.memory_space<vmem>>[vector<16xi32>, vector<16xi32>], vector<16xf32>,
      tpu.vector_store_idx %arg8[%add3A_9, %broadcast_in_dim3A_445], %gather3A_457 : memref<32x512xf32, #tpu.memory_space<vmem>>[vector<16xi32>, vector<16xi32>], vector<16xf32>,
      %add3A_458 = arith.constant 1 : i32
      %add3A_459 = arith.addi %scan3A_285, %add3A_458 : i32
      %lt3A_460 = arith.constant 32 : i32
      %lt3A_461 = arith.cmpi slt, %add3A_459, %lt3A_460 : i32
      %convert_element_type3A_462 = arith.extui %lt3A_461 : i1 to i32
      %cond3A_463 = arith.constant 0 : i32
      %cond3A_464 = arith.cmpi ne, %convert_element_type3A_462, %cond3A_463 : i32
      scf.if %cond3A_464 {
        %slice3A_969 = vector.extract_strided_slice %and3A_301 {offsets = [3], sizes = [1], strides = [1]} : vector<16xi32> to vector<1xi32>
        %squeeze3A_970 = vector.extract %slice3A_969[0] : i32 from vector<1xi32>
        %multiple_of3A_971 = tpu.assume_multiple %squeeze3A_970, 128 : i32
        %dma_start3A_972 = arith.constant 3 : i32
        %dma_start3A_973 = arith.constant 0 : i32
        %dma_start3A_974 = arith.constant 0 : i32
        %dma_start3A_975 = tpu.memref_slice %arg7[%dma_start3A_972, %dma_start3A_973, %dma_start3A_974] : memref<16x32x128xf32, #tpu.memory_space<vmem>> -> memref<1x32x128xf32, #tpu.memory_space<vmem>>
        %dma_start3A_976 = tpu.memref_squeeze %dma_start3A_975 : memref<1x32x128xf32, #tpu.memory_space<vmem>> -> memref<32x128xf32, #tpu.memory_space<vmem>>
        %dma_start3A_977 = arith.constant 0 : i32
        %dma_start3A_978 = tpu.memref_slice %arg2[%dma_start3A_977, %multiple_of3A_971] : memref<32x1000000xf32, #tpu.memory_space<hbm>> -> memref<32x128xf32, #tpu.memory_space<hbm>>
        %dma_start3A_979 = arith.constant 0 : i32
        %dma_start3A_980 = arith.constant 0 : i32
        %dma_start3A_981 = tpu.memref_slice %arg7[%dma_start3A_972, %dma_start3A_979, %dma_start3A_980] : memref<16x32x128xf32, #tpu.memory_space<vmem>> -> memref<1x32x128xf32, #tpu.memory_space<vmem>>
        %dma_start3A_982 = tpu.memref_squeeze %dma_start3A_981 : memref<1x32x128xf32, #tpu.memory_space<vmem>> -> memref<32x128xf32, #tpu.memory_space<vmem>>
        %dma_start3A_983 = arith.constant 0 : i32
        %dma_start3A_984 = tpu.memref_slice %arg2[%dma_start3A_983, %multiple_of3A_971] : memref<32x1000000xf32, #tpu.memory_space<hbm>> -> memref<32x128xf32, #tpu.memory_space<hbm>>
        tpu.enqueue_dma source(%dma_start3A_984 : memref<32x128xf32, #tpu.memory_space<hbm>>) target(%dma_start3A_982 : memref<32x128xf32, #tpu.memory_space<vmem>>) target_semaphore(%arg12 : memref<!tpu.dma_semaphore, #tpu.memory_space<semaphore_mem>>)
      } else {
      }
      %dma_wait3A_465 = arith.constant 4 : i32
      %dma_wait3A_466 = arith.constant 0 : i32
      %dma_wait3A_467 = arith.constant 0 : i32
      %dma_wait3A_468 = tpu.memref_slice %arg7[%dma_wait3A_465, %dma_wait3A_466, %dma_wait3A_467] : memref<16x32x128xf32, #tpu.memory_space<vmem>> -> memref<1x32x128xf32, #tpu.memory_space<vmem>>
      %dma_wait3A_469 = tpu.memref_squeeze %dma_wait3A_468 : memref<1x32x128xf32, #tpu.memory_space<vmem>> -> memref<32x128xf32, #tpu.memory_space<vmem>>
      %dma_wait3A_470 = arith.constant 0 : i32
      %dma_wait3A_471 = arith.constant 0 : i32
      %dma_wait3A_472 = tpu.memref_slice %arg2[%dma_wait3A_470, %dma_wait3A_471] : memref<32x1000000xf32, #tpu.memory_space<hbm>> -> memref<32x128xf32, #tpu.memory_space<hbm>>
      %dma_wait3A_473 = arith.constant 0 : i32
      %dma_wait3A_474 = arith.constant 0 : i32
      %dma_wait3A_475 = tpu.memref_slice %arg7[%dma_wait3A_465, %dma_wait3A_473, %dma_wait3A_474] : memref<16x32x128xf32, #tpu.memory_space<vmem>> -> memref<1x32x128xf32, #tpu.memory_space<vmem>>
      %dma_wait3A_476 = tpu.memref_squeeze %dma_wait3A_475 : memref<1x32x128xf32, #tpu.memory_space<vmem>> -> memref<32x128xf32, #tpu.memory_space<vmem>>
      %dma_wait3A_477 = arith.constant 0 : i32
      %dma_wait3A_478 = arith.constant 0 : i32
      %dma_wait3A_479 = tpu.memref_slice %arg2[%dma_wait3A_477, %dma_wait3A_478] : memref<32x1000000xf32, #tpu.memory_space<hbm>> -> memref<32x128xf32, #tpu.memory_space<hbm>>
      tpu.wait_dma2 semaphore(%arg13 : memref<!tpu.dma_semaphore, #tpu.memory_space<semaphore_mem>>) src(%dma_wait3A_479 : memref<32x128xf32, #tpu.memory_space<hbm>>) dst(%dma_wait3A_476 : memref<32x128xf32, #tpu.memory_space<vmem>>)
      %slice3A_480 = vector.extract_strided_slice %and3A_292 {offsets = [4], sizes = [1], strides = [1]} : vector<16xi32> to vector<1xi32>
      %squeeze3A_481 = vector.extract %slice3A_480[0] : i32 from vector<1xi32>
      %broadcast_in_dim3A_482 = vector.broadcast %squeeze3A_481 : i32 to vector<16xi32>
      %mul3A_483 = arith.constant 16 : i32
      %mul3A_484 = arith.muli %scan3A_285, %mul3A_483 : i32
      %add3A_485 = arith.constant 4 : i32
      %add3A_486 = arith.addi %mul3A_484, %add3A_485 : i32
      %broadcast_in_dim3A_487 = vector.broadcast %add3A_486 : i32 to vector<16xi32>
      %gather3A_488 = arith.constant 4 : i32
      %gather3A_489 = arith.constant 0 : i32
      %gather3A_490 = arith.constant 0 : i32
      %gather3A_491 = tpu.memref_slice %arg7[%gather3A_488, %gather3A_489, %gather3A_490] : memref<16x32x128xf32, #tpu.memory_space<vmem>> -> memref<1x32x128xf32, #tpu.memory_space<vmem>>
      %gather3A_492 = tpu.memref_squeeze %gather3A_491 : memref<1x32x128xf32, #tpu.memory_space<vmem>> -> memref<32x128xf32, #tpu.memory_space<vmem>>
      %gather3A_493 = tpu.vector_load_idx %gather3A_492[%add3A_5, %broadcast_in_dim3A_482] : memref<32x128xf32, #tpu.memory_space<vmem>>[vector<16xi32>, vector<16xi32>], vector<16xf32>,
      tpu.vector_store_idx %arg8[%add3A_5, %broadcast_in_dim3A_487], %gather3A_493 : memref<32x512xf32, #tpu.memory_space<vmem>>[vector<16xi32>, vector<16xi32>], vector<16xf32>,
      %gather3A_494 = arith.constant 4 : i32
      %gather3A_495 = arith.constant 0 : i32
      %gather3A_496 = arith.constant 0 : i32
      %gather3A_497 = tpu.memref_slice %arg7[%gather3A_494, %gather3A_495, %gather3A_496] : memref<16x32x128xf32, #tpu.memory_space<vmem>> -> memref<1x32x128xf32, #tpu.memory_space<vmem>>
      %gather3A_498 = tpu.memref_squeeze %gather3A_497 : memref<1x32x128xf32, #tpu.memory_space<vmem>> -> memref<32x128xf32, #tpu.memory_space<vmem>>
      %gather3A_499 = tpu.vector_load_idx %gather3A_498[%add3A_9, %broadcast_in_dim3A_482] : memref<32x128xf32, #tpu.memory_space<vmem>>[vector<16xi32>, vector<16xi32>], vector<16xf32>,
      tpu.vector_store_idx %arg8[%add3A_9, %broadcast_in_dim3A_487], %gather3A_499 : memref<32x512xf32, #tpu.memory_space<vmem>>[vector<16xi32>, vector<16xi32>], vector<16xf32>,
      %add3A_500 = arith.constant 1 : i32
      %add3A_501 = arith.addi %scan3A_285, %add3A_500 : i32
      %lt3A_502 = arith.constant 32 : i32
      %lt3A_503 = arith.cmpi slt, %add3A_501, %lt3A_502 : i32
      %convert_element_type3A_504 = arith.extui %lt3A_503 : i1 to i32
      %cond3A_505 = arith.constant 0 : i32
      %cond3A_506 = arith.cmpi ne, %convert_element_type3A_504, %cond3A_505 : i32
      scf.if %cond3A_506 {
        %slice3A_969 = vector.extract_strided_slice %and3A_301 {offsets = [4], sizes = [1], strides = [1]} : vector<16xi32> to vector<1xi32>
        %squeeze3A_970 = vector.extract %slice3A_969[0] : i32 from vector<1xi32>
        %multiple_of3A_971 = tpu.assume_multiple %squeeze3A_970, 128 : i32
        %dma_start3A_972 = arith.constant 4 : i32
        %dma_start3A_973 = arith.constant 0 : i32
        %dma_start3A_974 = arith.constant 0 : i32
        %dma_start3A_975 = tpu.memref_slice %arg7[%dma_start3A_972, %dma_start3A_973, %dma_start3A_974] : memref<16x32x128xf32, #tpu.memory_space<vmem>> -> memref<1x32x128xf32, #tpu.memory_space<vmem>>
        %dma_start3A_976 = tpu.memref_squeeze %dma_start3A_975 : memref<1x32x128xf32, #tpu.memory_space<vmem>> -> memref<32x128xf32, #tpu.memory_space<vmem>>
        %dma_start3A_977 = arith.constant 0 : i32
        %dma_start3A_978 = tpu.memref_slice %arg2[%dma_start3A_977, %multiple_of3A_971] : memref<32x1000000xf32, #tpu.memory_space<hbm>> -> memref<32x128xf32, #tpu.memory_space<hbm>>
        %dma_start3A_979 = arith.constant 0 : i32
        %dma_start3A_980 = arith.constant 0 : i32
        %dma_start3A_981 = tpu.memref_slice %arg7[%dma_start3A_972, %dma_start3A_979, %dma_start3A_980] : memref<16x32x128xf32, #tpu.memory_space<vmem>> -> memref<1x32x128xf32, #tpu.memory_space<vmem>>
        %dma_start3A_982 = tpu.memref_squeeze %dma_start3A_981 : memref<1x32x128xf32, #tpu.memory_space<vmem>> -> memref<32x128xf32, #tpu.memory_space<vmem>>
        %dma_start3A_983 = arith.constant 0 : i32
        %dma_start3A_984 = tpu.memref_slice %arg2[%dma_start3A_983, %multiple_of3A_971] : memref<32x1000000xf32, #tpu.memory_space<hbm>> -> memref<32x128xf32, #tpu.memory_space<hbm>>
        tpu.enqueue_dma source(%dma_start3A_984 : memref<32x128xf32, #tpu.memory_space<hbm>>) target(%dma_start3A_982 : memref<32x128xf32, #tpu.memory_space<vmem>>) target_semaphore(%arg13 : memref<!tpu.dma_semaphore, #tpu.memory_space<semaphore_mem>>)
      } else {
      }
      %dma_wait3A_507 = arith.constant 5 : i32
      %dma_wait3A_508 = arith.constant 0 : i32
      %dma_wait3A_509 = arith.constant 0 : i32
      %dma_wait3A_510 = tpu.memref_slice %arg7[%dma_wait3A_507, %dma_wait3A_508, %dma_wait3A_509] : memref<16x32x128xf32, #tpu.memory_space<vmem>> -> memref<1x32x128xf32, #tpu.memory_space<vmem>>
      %dma_wait3A_511 = tpu.memref_squeeze %dma_wait3A_510 : memref<1x32x128xf32, #tpu.memory_space<vmem>> -> memref<32x128xf32, #tpu.memory_space<vmem>>
      %dma_wait3A_512 = arith.constant 0 : i32
      %dma_wait3A_513 = arith.constant 0 : i32
      %dma_wait3A_514 = tpu.memref_slice %arg2[%dma_wait3A_512, %dma_wait3A_513] : memref<32x1000000xf32, #tpu.memory_space<hbm>> -> memref<32x128xf32, #tpu.memory_space<hbm>>
      %dma_wait3A_515 = arith.constant 0 : i32
      %dma_wait3A_516 = arith.constant 0 : i32
      %dma_wait3A_517 = tpu.memref_slice %arg7[%dma_wait3A_507, %dma_wait3A_515, %dma_wait3A_516] : memref<16x32x128xf32, #tpu.memory_space<vmem>> -> memref<1x32x128xf32, #tpu.memory_space<vmem>>
      %dma_wait3A_518 = tpu.memref_squeeze %dma_wait3A_517 : memref<1x32x128xf32, #tpu.memory_space<vmem>> -> memref<32x128xf32, #tpu.memory_space<vmem>>
      %dma_wait3A_519 = arith.constant 0 : i32
      %dma_wait3A_520 = arith.constant 0 : i32
      %dma_wait3A_521 = tpu.memref_slice %arg2[%dma_wait3A_519, %dma_wait3A_520] : memref<32x1000000xf32, #tpu.memory_space<hbm>> -> memref<32x128xf32, #tpu.memory_space<hbm>>
      tpu.wait_dma2 semaphore(%arg14 : memref<!tpu.dma_semaphore, #tpu.memory_space<semaphore_mem>>) src(%dma_wait3A_521 : memref<32x128xf32, #tpu.memory_space<hbm>>) dst(%dma_wait3A_518 : memref<32x128xf32, #tpu.memory_space<vmem>>)
      %slice3A_522 = vector.extract_strided_slice %and3A_292 {offsets = [5], sizes = [1], strides = [1]} : vector<16xi32> to vector<1xi32>
      %squeeze3A_523 = vector.extract %slice3A_522[0] : i32 from vector<1xi32>
      %broadcast_in_dim3A_524 = vector.broadcast %squeeze3A_523 : i32 to vector<16xi32>
      %mul3A_525 = arith.constant 16 : i32
      %mul3A_526 = arith.muli %scan3A_285, %mul3A_525 : i32
      %add3A_527 = arith.constant 5 : i32
      %add3A_528 = arith.addi %mul3A_526, %add3A_527 : i32
      %broadcast_in_dim3A_529 = vector.broadcast %add3A_528 : i32 to vector<16xi32>
      %gather3A_530 = arith.constant 5 : i32
      %gather3A_531 = arith.constant 0 : i32
      %gather3A_532 = arith.constant 0 : i32
      %gather3A_533 = tpu.memref_slice %arg7[%gather3A_530, %gather3A_531, %gather3A_532] : memref<16x32x128xf32, #tpu.memory_space<vmem>> -> memref<1x32x128xf32, #tpu.memory_space<vmem>>
      %gather3A_534 = tpu.memref_squeeze %gather3A_533 : memref<1x32x128xf32, #tpu.memory_space<vmem>> -> memref<32x128xf32, #tpu.memory_space<vmem>>
      %gather3A_535 = tpu.vector_load_idx %gather3A_534[%add3A_5, %broadcast_in_dim3A_524] : memref<32x128xf32, #tpu.memory_space<vmem>>[vector<16xi32>, vector<16xi32>], vector<16xf32>,
      tpu.vector_store_idx %arg8[%add3A_5, %broadcast_in_dim3A_529], %gather3A_535 : memref<32x512xf32, #tpu.memory_space<vmem>>[vector<16xi32>, vector<16xi32>], vector<16xf32>,
      %gather3A_536 = arith.constant 5 : i32
      %gather3A_537 = arith.constant 0 : i32
      %gather3A_538 = arith.constant 0 : i32
      %gather3A_539 = tpu.memref_slice %arg7[%gather3A_536, %gather3A_537, %gather3A_538] : memref<16x32x128xf32, #tpu.memory_space<vmem>> -> memref<1x32x128xf32, #tpu.memory_space<vmem>>
      %gather3A_540 = tpu.memref_squeeze %gather3A_539 : memref<1x32x128xf32, #tpu.memory_space<vmem>> -> memref<32x128xf32, #tpu.memory_space<vmem>>
      %gather3A_541 = tpu.vector_load_idx %gather3A_540[%add3A_9, %broadcast_in_dim3A_524] : memref<32x128xf32, #tpu.memory_space<vmem>>[vector<16xi32>, vector<16xi32>], vector<16xf32>,
      tpu.vector_store_idx %arg8[%add3A_9, %broadcast_in_dim3A_529], %gather3A_541 : memref<32x512xf32, #tpu.memory_space<vmem>>[vector<16xi32>, vector<16xi32>], vector<16xf32>,
      %add3A_542 = arith.constant 1 : i32
      %add3A_543 = arith.addi %scan3A_285, %add3A_542 : i32
      %lt3A_544 = arith.constant 32 : i32
      %lt3A_545 = arith.cmpi slt, %add3A_543, %lt3A_544 : i32
      %convert_element_type3A_546 = arith.extui %lt3A_545 : i1 to i32
      %cond3A_547 = arith.constant 0 : i32
      %cond3A_548 = arith.cmpi ne, %convert_element_type3A_546, %cond3A_547 : i32
      scf.if %cond3A_548 {
        %slice3A_969 = vector.extract_strided_slice %and3A_301 {offsets = [5], sizes = [1], strides = [1]} : vector<16xi32> to vector<1xi32>
        %squeeze3A_970 = vector.extract %slice3A_969[0] : i32 from vector<1xi32>
        %multiple_of3A_971 = tpu.assume_multiple %squeeze3A_970, 128 : i32
        %dma_start3A_972 = arith.constant 5 : i32
        %dma_start3A_973 = arith.constant 0 : i32
        %dma_start3A_974 = arith.constant 0 : i32
        %dma_start3A_975 = tpu.memref_slice %arg7[%dma_start3A_972, %dma_start3A_973, %dma_start3A_974] : memref<16x32x128xf32, #tpu.memory_space<vmem>> -> memref<1x32x128xf32, #tpu.memory_space<vmem>>
        %dma_start3A_976 = tpu.memref_squeeze %dma_start3A_975 : memref<1x32x128xf32, #tpu.memory_space<vmem>> -> memref<32x128xf32, #tpu.memory_space<vmem>>
        %dma_start3A_977 = arith.constant 0 : i32
        %dma_start3A_978 = tpu.memref_slice %arg2[%dma_start3A_977, %multiple_of3A_971] : memref<32x1000000xf32, #tpu.memory_space<hbm>> -> memref<32x128xf32, #tpu.memory_space<hbm>>
        %dma_start3A_979 = arith.constant 0 : i32
        %dma_start3A_980 = arith.constant 0 : i32
        %dma_start3A_981 = tpu.memref_slice %arg7[%dma_start3A_972, %dma_start3A_979, %dma_start3A_980] : memref<16x32x128xf32, #tpu.memory_space<vmem>> -> memref<1x32x128xf32, #tpu.memory_space<vmem>>
        %dma_start3A_982 = tpu.memref_squeeze %dma_start3A_981 : memref<1x32x128xf32, #tpu.memory_space<vmem>> -> memref<32x128xf32, #tpu.memory_space<vmem>>
        %dma_start3A_983 = arith.constant 0 : i32
        %dma_start3A_984 = tpu.memref_slice %arg2[%dma_start3A_983, %multiple_of3A_971] : memref<32x1000000xf32, #tpu.memory_space<hbm>> -> memref<32x128xf32, #tpu.memory_space<hbm>>
        tpu.enqueue_dma source(%dma_start3A_984 : memref<32x128xf32, #tpu.memory_space<hbm>>) target(%dma_start3A_982 : memref<32x128xf32, #tpu.memory_space<vmem>>) target_semaphore(%arg14 : memref<!tpu.dma_semaphore, #tpu.memory_space<semaphore_mem>>)
      } else {
      }
      %dma_wait3A_549 = arith.constant 6 : i32
      %dma_wait3A_550 = arith.constant 0 : i32
      %dma_wait3A_551 = arith.constant 0 : i32
      %dma_wait3A_552 = tpu.memref_slice %arg7[%dma_wait3A_549, %dma_wait3A_550, %dma_wait3A_551] : memref<16x32x128xf32, #tpu.memory_space<vmem>> -> memref<1x32x128xf32, #tpu.memory_space<vmem>>
      %dma_wait3A_553 = tpu.memref_squeeze %dma_wait3A_552 : memref<1x32x128xf32, #tpu.memory_space<vmem>> -> memref<32x128xf32, #tpu.memory_space<vmem>>
      %dma_wait3A_554 = arith.constant 0 : i32
      %dma_wait3A_555 = arith.constant 0 : i32
      %dma_wait3A_556 = tpu.memref_slice %arg2[%dma_wait3A_554, %dma_wait3A_555] : memref<32x1000000xf32, #tpu.memory_space<hbm>> -> memref<32x128xf32, #tpu.memory_space<hbm>>
      %dma_wait3A_557 = arith.constant 0 : i32
      %dma_wait3A_558 = arith.constant 0 : i32
      %dma_wait3A_559 = tpu.memref_slice %arg7[%dma_wait3A_549, %dma_wait3A_557, %dma_wait3A_558] : memref<16x32x128xf32, #tpu.memory_space<vmem>> -> memref<1x32x128xf32, #tpu.memory_space<vmem>>
      %dma_wait3A_560 = tpu.memref_squeeze %dma_wait3A_559 : memref<1x32x128xf32, #tpu.memory_space<vmem>> -> memref<32x128xf32, #tpu.memory_space<vmem>>
      %dma_wait3A_561 = arith.constant 0 : i32
      %dma_wait3A_562 = arith.constant 0 : i32
      %dma_wait3A_563 = tpu.memref_slice %arg2[%dma_wait3A_561, %dma_wait3A_562] : memref<32x1000000xf32, #tpu.memory_space<hbm>> -> memref<32x128xf32, #tpu.memory_space<hbm>>
      tpu.wait_dma2 semaphore(%arg15 : memref<!tpu.dma_semaphore, #tpu.memory_space<semaphore_mem>>) src(%dma_wait3A_563 : memref<32x128xf32, #tpu.memory_space<hbm>>) dst(%dma_wait3A_560 : memref<32x128xf32, #tpu.memory_space<vmem>>)
      %slice3A_564 = vector.extract_strided_slice %and3A_292 {offsets = [6], sizes = [1], strides = [1]} : vector<16xi32> to vector<1xi32>
      %squeeze3A_565 = vector.extract %slice3A_564[0] : i32 from vector<1xi32>
      %broadcast_in_dim3A_566 = vector.broadcast %squeeze3A_565 : i32 to vector<16xi32>
      %mul3A_567 = arith.constant 16 : i32
      %mul3A_568 = arith.muli %scan3A_285, %mul3A_567 : i32
      %add3A_569 = arith.constant 6 : i32
      %add3A_570 = arith.addi %mul3A_568, %add3A_569 : i32
      %broadcast_in_dim3A_571 = vector.broadcast %add3A_570 : i32 to vector<16xi32>
      %gather3A_572 = arith.constant 6 : i32
      %gather3A_573 = arith.constant 0 : i32
      %gather3A_574 = arith.constant 0 : i32
      %gather3A_575 = tpu.memref_slice %arg7[%gather3A_572, %gather3A_573, %gather3A_574] : memref<16x32x128xf32, #tpu.memory_space<vmem>> -> memref<1x32x128xf32, #tpu.memory_space<vmem>>
      %gather3A_576 = tpu.memref_squeeze %gather3A_575 : memref<1x32x128xf32, #tpu.memory_space<vmem>> -> memref<32x128xf32, #tpu.memory_space<vmem>>
      %gather3A_577 = tpu.vector_load_idx %gather3A_576[%add3A_5, %broadcast_in_dim3A_566] : memref<32x128xf32, #tpu.memory_space<vmem>>[vector<16xi32>, vector<16xi32>], vector<16xf32>,
      tpu.vector_store_idx %arg8[%add3A_5, %broadcast_in_dim3A_571], %gather3A_577 : memref<32x512xf32, #tpu.memory_space<vmem>>[vector<16xi32>, vector<16xi32>], vector<16xf32>,
      %gather3A_578 = arith.constant 6 : i32
      %gather3A_579 = arith.constant 0 : i32
      %gather3A_580 = arith.constant 0 : i32
      %gather3A_581 = tpu.memref_slice %arg7[%gather3A_578, %gather3A_579, %gather3A_580] : memref<16x32x128xf32, #tpu.memory_space<vmem>> -> memref<1x32x128xf32, #tpu.memory_space<vmem>>
      %gather3A_582 = tpu.memref_squeeze %gather3A_581 : memref<1x32x128xf32, #tpu.memory_space<vmem>> -> memref<32x128xf32, #tpu.memory_space<vmem>>
      %gather3A_583 = tpu.vector_load_idx %gather3A_582[%add3A_9, %broadcast_in_dim3A_566] : memref<32x128xf32, #tpu.memory_space<vmem>>[vector<16xi32>, vector<16xi32>], vector<16xf32>,
      tpu.vector_store_idx %arg8[%add3A_9, %broadcast_in_dim3A_571], %gather3A_583 : memref<32x512xf32, #tpu.memory_space<vmem>>[vector<16xi32>, vector<16xi32>], vector<16xf32>,
      %add3A_584 = arith.constant 1 : i32
      %add3A_585 = arith.addi %scan3A_285, %add3A_584 : i32
      %lt3A_586 = arith.constant 32 : i32
      %lt3A_587 = arith.cmpi slt, %add3A_585, %lt3A_586 : i32
      %convert_element_type3A_588 = arith.extui %lt3A_587 : i1 to i32
      %cond3A_589 = arith.constant 0 : i32
      %cond3A_590 = arith.cmpi ne, %convert_element_type3A_588, %cond3A_589 : i32
      scf.if %cond3A_590 {
        %slice3A_969 = vector.extract_strided_slice %and3A_301 {offsets = [6], sizes = [1], strides = [1]} : vector<16xi32> to vector<1xi32>
        %squeeze3A_970 = vector.extract %slice3A_969[0] : i32 from vector<1xi32>
        %multiple_of3A_971 = tpu.assume_multiple %squeeze3A_970, 128 : i32
        %dma_start3A_972 = arith.constant 6 : i32
        %dma_start3A_973 = arith.constant 0 : i32
        %dma_start3A_974 = arith.constant 0 : i32
        %dma_start3A_975 = tpu.memref_slice %arg7[%dma_start3A_972, %dma_start3A_973, %dma_start3A_974] : memref<16x32x128xf32, #tpu.memory_space<vmem>> -> memref<1x32x128xf32, #tpu.memory_space<vmem>>
        %dma_start3A_976 = tpu.memref_squeeze %dma_start3A_975 : memref<1x32x128xf32, #tpu.memory_space<vmem>> -> memref<32x128xf32, #tpu.memory_space<vmem>>
        %dma_start3A_977 = arith.constant 0 : i32
        %dma_start3A_978 = tpu.memref_slice %arg2[%dma_start3A_977, %multiple_of3A_971] : memref<32x1000000xf32, #tpu.memory_space<hbm>> -> memref<32x128xf32, #tpu.memory_space<hbm>>
        %dma_start3A_979 = arith.constant 0 : i32
        %dma_start3A_980 = arith.constant 0 : i32
        %dma_start3A_981 = tpu.memref_slice %arg7[%dma_start3A_972, %dma_start3A_979, %dma_start3A_980] : memref<16x32x128xf32, #tpu.memory_space<vmem>> -> memref<1x32x128xf32, #tpu.memory_space<vmem>>
        %dma_start3A_982 = tpu.memref_squeeze %dma_start3A_981 : memref<1x32x128xf32, #tpu.memory_space<vmem>> -> memref<32x128xf32, #tpu.memory_space<vmem>>
        %dma_start3A_983 = arith.constant 0 : i32
        %dma_start3A_984 = tpu.memref_slice %arg2[%dma_start3A_983, %multiple_of3A_971] : memref<32x1000000xf32, #tpu.memory_space<hbm>> -> memref<32x128xf32, #tpu.memory_space<hbm>>
        tpu.enqueue_dma source(%dma_start3A_984 : memref<32x128xf32, #tpu.memory_space<hbm>>) target(%dma_start3A_982 : memref<32x128xf32, #tpu.memory_space<vmem>>) target_semaphore(%arg15 : memref<!tpu.dma_semaphore, #tpu.memory_space<semaphore_mem>>)
      } else {
      }
      %dma_wait3A_591 = arith.constant 7 : i32
      %dma_wait3A_592 = arith.constant 0 : i32
      %dma_wait3A_593 = arith.constant 0 : i32
      %dma_wait3A_594 = tpu.memref_slice %arg7[%dma_wait3A_591, %dma_wait3A_592, %dma_wait3A_593] : memref<16x32x128xf32, #tpu.memory_space<vmem>> -> memref<1x32x128xf32, #tpu.memory_space<vmem>>
      %dma_wait3A_595 = tpu.memref_squeeze %dma_wait3A_594 : memref<1x32x128xf32, #tpu.memory_space<vmem>> -> memref<32x128xf32, #tpu.memory_space<vmem>>
      %dma_wait3A_596 = arith.constant 0 : i32
      %dma_wait3A_597 = arith.constant 0 : i32
      %dma_wait3A_598 = tpu.memref_slice %arg2[%dma_wait3A_596, %dma_wait3A_597] : memref<32x1000000xf32, #tpu.memory_space<hbm>> -> memref<32x128xf32, #tpu.memory_space<hbm>>
      %dma_wait3A_599 = arith.constant 0 : i32
      %dma_wait3A_600 = arith.constant 0 : i32
      %dma_wait3A_601 = tpu.memref_slice %arg7[%dma_wait3A_591, %dma_wait3A_599, %dma_wait3A_600] : memref<16x32x128xf32, #tpu.memory_space<vmem>> -> memref<1x32x128xf32, #tpu.memory_space<vmem>>
      %dma_wait3A_602 = tpu.memref_squeeze %dma_wait3A_601 : memref<1x32x128xf32, #tpu.memory_space<vmem>> -> memref<32x128xf32, #tpu.memory_space<vmem>>
      %dma_wait3A_603 = arith.constant 0 : i32
      %dma_wait3A_604 = arith.constant 0 : i32
      %dma_wait3A_605 = tpu.memref_slice %arg2[%dma_wait3A_603, %dma_wait3A_604] : memref<32x1000000xf32, #tpu.memory_space<hbm>> -> memref<32x128xf32, #tpu.memory_space<hbm>>
      tpu.wait_dma2 semaphore(%arg16 : memref<!tpu.dma_semaphore, #tpu.memory_space<semaphore_mem>>) src(%dma_wait3A_605 : memref<32x128xf32, #tpu.memory_space<hbm>>) dst(%dma_wait3A_602 : memref<32x128xf32, #tpu.memory_space<vmem>>)
      %slice3A_606 = vector.extract_strided_slice %and3A_292 {offsets = [7], sizes = [1], strides = [1]} : vector<16xi32> to vector<1xi32>
      %squeeze3A_607 = vector.extract %slice3A_606[0] : i32 from vector<1xi32>
      %broadcast_in_dim3A_608 = vector.broadcast %squeeze3A_607 : i32 to vector<16xi32>
      %mul3A_609 = arith.constant 16 : i32
      %mul3A_610 = arith.muli %scan3A_285, %mul3A_609 : i32
      %add3A_611 = arith.constant 7 : i32
      %add3A_612 = arith.addi %mul3A_610, %add3A_611 : i32
      %broadcast_in_dim3A_613 = vector.broadcast %add3A_612 : i32 to vector<16xi32>
      %gather3A_614 = arith.constant 7 : i32
      %gather3A_615 = arith.constant 0 : i32
      %gather3A_616 = arith.constant 0 : i32
      %gather3A_617 = tpu.memref_slice %arg7[%gather3A_614, %gather3A_615, %gather3A_616] : memref<16x32x128xf32, #tpu.memory_space<vmem>> -> memref<1x32x128xf32, #tpu.memory_space<vmem>>
      %gather3A_618 = tpu.memref_squeeze %gather3A_617 : memref<1x32x128xf32, #tpu.memory_space<vmem>> -> memref<32x128xf32, #tpu.memory_space<vmem>>
      %gather3A_619 = tpu.vector_load_idx %gather3A_618[%add3A_5, %broadcast_in_dim3A_608] : memref<32x128xf32, #tpu.memory_space<vmem>>[vector<16xi32>, vector<16xi32>], vector<16xf32>,
      tpu.vector_store_idx %arg8[%add3A_5, %broadcast_in_dim3A_613], %gather3A_619 : memref<32x512xf32, #tpu.memory_space<vmem>>[vector<16xi32>, vector<16xi32>], vector<16xf32>,
      %gather3A_620 = arith.constant 7 : i32
      %gather3A_621 = arith.constant 0 : i32
      %gather3A_622 = arith.constant 0 : i32
      %gather3A_623 = tpu.memref_slice %arg7[%gather3A_620, %gather3A_621, %gather3A_622] : memref<16x32x128xf32, #tpu.memory_space<vmem>> -> memref<1x32x128xf32, #tpu.memory_space<vmem>>
      %gather3A_624 = tpu.memref_squeeze %gather3A_623 : memref<1x32x128xf32, #tpu.memory_space<vmem>> -> memref<32x128xf32, #tpu.memory_space<vmem>>
      %gather3A_625 = tpu.vector_load_idx %gather3A_624[%add3A_9, %broadcast_in_dim3A_608] : memref<32x128xf32, #tpu.memory_space<vmem>>[vector<16xi32>, vector<16xi32>], vector<16xf32>,
      tpu.vector_store_idx %arg8[%add3A_9, %broadcast_in_dim3A_613], %gather3A_625 : memref<32x512xf32, #tpu.memory_space<vmem>>[vector<16xi32>, vector<16xi32>], vector<16xf32>,
      %add3A_626 = arith.constant 1 : i32
      %add3A_627 = arith.addi %scan3A_285, %add3A_626 : i32
      %lt3A_628 = arith.constant 32 : i32
      %lt3A_629 = arith.cmpi slt, %add3A_627, %lt3A_628 : i32
      %convert_element_type3A_630 = arith.extui %lt3A_629 : i1 to i32
      %cond3A_631 = arith.constant 0 : i32
      %cond3A_632 = arith.cmpi ne, %convert_element_type3A_630, %cond3A_631 : i32
      scf.if %cond3A_632 {
        %slice3A_969 = vector.extract_strided_slice %and3A_301 {offsets = [7], sizes = [1], strides = [1]} : vector<16xi32> to vector<1xi32>
        %squeeze3A_970 = vector.extract %slice3A_969[0] : i32 from vector<1xi32>
        %multiple_of3A_971 = tpu.assume_multiple %squeeze3A_970, 128 : i32
        %dma_start3A_972 = arith.constant 7 : i32
        %dma_start3A_973 = arith.constant 0 : i32
        %dma_start3A_974 = arith.constant 0 : i32
        %dma_start3A_975 = tpu.memref_slice %arg7[%dma_start3A_972, %dma_start3A_973, %dma_start3A_974] : memref<16x32x128xf32, #tpu.memory_space<vmem>> -> memref<1x32x128xf32, #tpu.memory_space<vmem>>
        %dma_start3A_976 = tpu.memref_squeeze %dma_start3A_975 : memref<1x32x128xf32, #tpu.memory_space<vmem>> -> memref<32x128xf32, #tpu.memory_space<vmem>>
        %dma_start3A_977 = arith.constant 0 : i32
        %dma_start3A_978 = tpu.memref_slice %arg2[%dma_start3A_977, %multiple_of3A_971] : memref<32x1000000xf32, #tpu.memory_space<hbm>> -> memref<32x128xf32, #tpu.memory_space<hbm>>
        %dma_start3A_979 = arith.constant 0 : i32
        %dma_start3A_980 = arith.constant 0 : i32
        %dma_start3A_981 = tpu.memref_slice %arg7[%dma_start3A_972, %dma_start3A_979, %dma_start3A_980] : memref<16x32x128xf32, #tpu.memory_space<vmem>> -> memref<1x32x128xf32, #tpu.memory_space<vmem>>
        %dma_start3A_982 = tpu.memref_squeeze %dma_start3A_981 : memref<1x32x128xf32, #tpu.memory_space<vmem>> -> memref<32x128xf32, #tpu.memory_space<vmem>>
        %dma_start3A_983 = arith.constant 0 : i32
        %dma_start3A_984 = tpu.memref_slice %arg2[%dma_start3A_983, %multiple_of3A_971] : memref<32x1000000xf32, #tpu.memory_space<hbm>> -> memref<32x128xf32, #tpu.memory_space<hbm>>
        tpu.enqueue_dma source(%dma_start3A_984 : memref<32x128xf32, #tpu.memory_space<hbm>>) target(%dma_start3A_982 : memref<32x128xf32, #tpu.memory_space<vmem>>) target_semaphore(%arg16 : memref<!tpu.dma_semaphore, #tpu.memory_space<semaphore_mem>>)
      } else {
      }
      %dma_wait3A_633 = arith.constant 8 : i32
      %dma_wait3A_634 = arith.constant 0 : i32
      %dma_wait3A_635 = arith.constant 0 : i32
      %dma_wait3A_636 = tpu.memref_slice %arg7[%dma_wait3A_633, %dma_wait3A_634, %dma_wait3A_635] : memref<16x32x128xf32, #tpu.memory_space<vmem>> -> memref<1x32x128xf32, #tpu.memory_space<vmem>>
      %dma_wait3A_637 = tpu.memref_squeeze %dma_wait3A_636 : memref<1x32x128xf32, #tpu.memory_space<vmem>> -> memref<32x128xf32, #tpu.memory_space<vmem>>
      %dma_wait3A_638 = arith.constant 0 : i32
      %dma_wait3A_639 = arith.constant 0 : i32
      %dma_wait3A_640 = tpu.memref_slice %arg2[%dma_wait3A_638, %dma_wait3A_639] : memref<32x1000000xf32, #tpu.memory_space<hbm>> -> memref<32x128xf32, #tpu.memory_space<hbm>>
      %dma_wait3A_641 = arith.constant 0 : i32
      %dma_wait3A_642 = arith.constant 0 : i32
      %dma_wait3A_643 = tpu.memref_slice %arg7[%dma_wait3A_633, %dma_wait3A_641, %dma_wait3A_642] : memref<16x32x128xf32, #tpu.memory_space<vmem>> -> memref<1x32x128xf32, #tpu.memory_space<vmem>>
      %dma_wait3A_644 = tpu.memref_squeeze %dma_wait3A_643 : memref<1x32x128xf32, #tpu.memory_space<vmem>> -> memref<32x128xf32, #tpu.memory_space<vmem>>
      %dma_wait3A_645 = arith.constant 0 : i32
      %dma_wait3A_646 = arith.constant 0 : i32
      %dma_wait3A_647 = tpu.memref_slice %arg2[%dma_wait3A_645, %dma_wait3A_646] : memref<32x1000000xf32, #tpu.memory_space<hbm>> -> memref<32x128xf32, #tpu.memory_space<hbm>>
      tpu.wait_dma2 semaphore(%arg17 : memref<!tpu.dma_semaphore, #tpu.memory_space<semaphore_mem>>) src(%dma_wait3A_647 : memref<32x128xf32, #tpu.memory_space<hbm>>) dst(%dma_wait3A_644 : memref<32x128xf32, #tpu.memory_space<vmem>>)
      %slice3A_648 = vector.extract_strided_slice %and3A_292 {offsets = [8], sizes = [1], strides = [1]} : vector<16xi32> to vector<1xi32>
      %squeeze3A_649 = vector.extract %slice3A_648[0] : i32 from vector<1xi32>
      %broadcast_in_dim3A_650 = vector.broadcast %squeeze3A_649 : i32 to vector<16xi32>
      %mul3A_651 = arith.constant 16 : i32
      %mul3A_652 = arith.muli %scan3A_285, %mul3A_651 : i32
      %add3A_653 = arith.constant 8 : i32
      %add3A_654 = arith.addi %mul3A_652, %add3A_653 : i32
      %broadcast_in_dim3A_655 = vector.broadcast %add3A_654 : i32 to vector<16xi32>
      %gather3A_656 = arith.constant 8 : i32
      %gather3A_657 = arith.constant 0 : i32
      %gather3A_658 = arith.constant 0 : i32
      %gather3A_659 = tpu.memref_slice %arg7[%gather3A_656, %gather3A_657, %gather3A_658] : memref<16x32x128xf32, #tpu.memory_space<vmem>> -> memref<1x32x128xf32, #tpu.memory_space<vmem>>
      %gather3A_660 = tpu.memref_squeeze %gather3A_659 : memref<1x32x128xf32, #tpu.memory_space<vmem>> -> memref<32x128xf32, #tpu.memory_space<vmem>>
      %gather3A_661 = tpu.vector_load_idx %gather3A_660[%add3A_5, %broadcast_in_dim3A_650] : memref<32x128xf32, #tpu.memory_space<vmem>>[vector<16xi32>, vector<16xi32>], vector<16xf32>,
      tpu.vector_store_idx %arg8[%add3A_5, %broadcast_in_dim3A_655], %gather3A_661 : memref<32x512xf32, #tpu.memory_space<vmem>>[vector<16xi32>, vector<16xi32>], vector<16xf32>,
      %gather3A_662 = arith.constant 8 : i32
      %gather3A_663 = arith.constant 0 : i32
      %gather3A_664 = arith.constant 0 : i32
      %gather3A_665 = tpu.memref_slice %arg7[%gather3A_662, %gather3A_663, %gather3A_664] : memref<16x32x128xf32, #tpu.memory_space<vmem>> -> memref<1x32x128xf32, #tpu.memory_space<vmem>>
      %gather3A_666 = tpu.memref_squeeze %gather3A_665 : memref<1x32x128xf32, #tpu.memory_space<vmem>> -> memref<32x128xf32, #tpu.memory_space<vmem>>
      %gather3A_667 = tpu.vector_load_idx %gather3A_666[%add3A_9, %broadcast_in_dim3A_650] : memref<32x128xf32, #tpu.memory_space<vmem>>[vector<16xi32>, vector<16xi32>], vector<16xf32>,
      tpu.vector_store_idx %arg8[%add3A_9, %broadcast_in_dim3A_655], %gather3A_667 : memref<32x512xf32, #tpu.memory_space<vmem>>[vector<16xi32>, vector<16xi32>], vector<16xf32>,
      %add3A_668 = arith.constant 1 : i32
      %add3A_669 = arith.addi %scan3A_285, %add3A_668 : i32
      %lt3A_670 = arith.constant 32 : i32
      %lt3A_671 = arith.cmpi slt, %add3A_669, %lt3A_670 : i32
      %convert_element_type3A_672 = arith.extui %lt3A_671 : i1 to i32
      %cond3A_673 = arith.constant 0 : i32
      %cond3A_674 = arith.cmpi ne, %convert_element_type3A_672, %cond3A_673 : i32
      scf.if %cond3A_674 {
        %slice3A_969 = vector.extract_strided_slice %and3A_301 {offsets = [8], sizes = [1], strides = [1]} : vector<16xi32> to vector<1xi32>
        %squeeze3A_970 = vector.extract %slice3A_969[0] : i32 from vector<1xi32>
        %multiple_of3A_971 = tpu.assume_multiple %squeeze3A_970, 128 : i32
        %dma_start3A_972 = arith.constant 8 : i32
        %dma_start3A_973 = arith.constant 0 : i32
        %dma_start3A_974 = arith.constant 0 : i32
        %dma_start3A_975 = tpu.memref_slice %arg7[%dma_start3A_972, %dma_start3A_973, %dma_start3A_974] : memref<16x32x128xf32, #tpu.memory_space<vmem>> -> memref<1x32x128xf32, #tpu.memory_space<vmem>>
        %dma_start3A_976 = tpu.memref_squeeze %dma_start3A_975 : memref<1x32x128xf32, #tpu.memory_space<vmem>> -> memref<32x128xf32, #tpu.memory_space<vmem>>
        %dma_start3A_977 = arith.constant 0 : i32
        %dma_start3A_978 = tpu.memref_slice %arg2[%dma_start3A_977, %multiple_of3A_971] : memref<32x1000000xf32, #tpu.memory_space<hbm>> -> memref<32x128xf32, #tpu.memory_space<hbm>>
        %dma_start3A_979 = arith.constant 0 : i32
        %dma_start3A_980 = arith.constant 0 : i32
        %dma_start3A_981 = tpu.memref_slice %arg7[%dma_start3A_972, %dma_start3A_979, %dma_start3A_980] : memref<16x32x128xf32, #tpu.memory_space<vmem>> -> memref<1x32x128xf32, #tpu.memory_space<vmem>>
        %dma_start3A_982 = tpu.memref_squeeze %dma_start3A_981 : memref<1x32x128xf32, #tpu.memory_space<vmem>> -> memref<32x128xf32, #tpu.memory_space<vmem>>
        %dma_start3A_983 = arith.constant 0 : i32
        %dma_start3A_984 = tpu.memref_slice %arg2[%dma_start3A_983, %multiple_of3A_971] : memref<32x1000000xf32, #tpu.memory_space<hbm>> -> memref<32x128xf32, #tpu.memory_space<hbm>>
        tpu.enqueue_dma source(%dma_start3A_984 : memref<32x128xf32, #tpu.memory_space<hbm>>) target(%dma_start3A_982 : memref<32x128xf32, #tpu.memory_space<vmem>>) target_semaphore(%arg17 : memref<!tpu.dma_semaphore, #tpu.memory_space<semaphore_mem>>)
      } else {
      }
      %dma_wait3A_675 = arith.constant 9 : i32
      %dma_wait3A_676 = arith.constant 0 : i32
      %dma_wait3A_677 = arith.constant 0 : i32
      %dma_wait3A_678 = tpu.memref_slice %arg7[%dma_wait3A_675, %dma_wait3A_676, %dma_wait3A_677] : memref<16x32x128xf32, #tpu.memory_space<vmem>> -> memref<1x32x128xf32, #tpu.memory_space<vmem>>
      %dma_wait3A_679 = tpu.memref_squeeze %dma_wait3A_678 : memref<1x32x128xf32, #tpu.memory_space<vmem>> -> memref<32x128xf32, #tpu.memory_space<vmem>>
      %dma_wait3A_680 = arith.constant 0 : i32
      %dma_wait3A_681 = arith.constant 0 : i32
      %dma_wait3A_682 = tpu.memref_slice %arg2[%dma_wait3A_680, %dma_wait3A_681] : memref<32x1000000xf32, #tpu.memory_space<hbm>> -> memref<32x128xf32, #tpu.memory_space<hbm>>
      %dma_wait3A_683 = arith.constant 0 : i32
      %dma_wait3A_684 = arith.constant 0 : i32
      %dma_wait3A_685 = tpu.memref_slice %arg7[%dma_wait3A_675, %dma_wait3A_683, %dma_wait3A_684] : memref<16x32x128xf32, #tpu.memory_space<vmem>> -> memref<1x32x128xf32, #tpu.memory_space<vmem>>
      %dma_wait3A_686 = tpu.memref_squeeze %dma_wait3A_685 : memref<1x32x128xf32, #tpu.memory_space<vmem>> -> memref<32x128xf32, #tpu.memory_space<vmem>>
      %dma_wait3A_687 = arith.constant 0 : i32
      %dma_wait3A_688 = arith.constant 0 : i32
      %dma_wait3A_689 = tpu.memref_slice %arg2[%dma_wait3A_687, %dma_wait3A_688] : memref<32x1000000xf32, #tpu.memory_space<hbm>> -> memref<32x128xf32, #tpu.memory_space<hbm>>
      tpu.wait_dma2 semaphore(%arg18 : memref<!tpu.dma_semaphore, #tpu.memory_space<semaphore_mem>>) src(%dma_wait3A_689 : memref<32x128xf32, #tpu.memory_space<hbm>>) dst(%dma_wait3A_686 : memref<32x128xf32, #tpu.memory_space<vmem>>)
      %slice3A_690 = vector.extract_strided_slice %and3A_292 {offsets = [9], sizes = [1], strides = [1]} : vector<16xi32> to vector<1xi32>
      %squeeze3A_691 = vector.extract %slice3A_690[0] : i32 from vector<1xi32>
      %broadcast_in_dim3A_692 = vector.broadcast %squeeze3A_691 : i32 to vector<16xi32>
      %mul3A_693 = arith.constant 16 : i32
      %mul3A_694 = arith.muli %scan3A_285, %mul3A_693 : i32
      %add3A_695 = arith.constant 9 : i32
      %add3A_696 = arith.addi %mul3A_694, %add3A_695 : i32
      %broadcast_in_dim3A_697 = vector.broadcast %add3A_696 : i32 to vector<16xi32>
      %gather3A_698 = arith.constant 9 : i32
      %gather3A_699 = arith.constant 0 : i32
      %gather3A_700 = arith.constant 0 : i32
      %gather3A_701 = tpu.memref_slice %arg7[%gather3A_698, %gather3A_699, %gather3A_700] : memref<16x32x128xf32, #tpu.memory_space<vmem>> -> memref<1x32x128xf32, #tpu.memory_space<vmem>>
      %gather3A_702 = tpu.memref_squeeze %gather3A_701 : memref<1x32x128xf32, #tpu.memory_space<vmem>> -> memref<32x128xf32, #tpu.memory_space<vmem>>
      %gather3A_703 = tpu.vector_load_idx %gather3A_702[%add3A_5, %broadcast_in_dim3A_692] : memref<32x128xf32, #tpu.memory_space<vmem>>[vector<16xi32>, vector<16xi32>], vector<16xf32>,
      tpu.vector_store_idx %arg8[%add3A_5, %broadcast_in_dim3A_697], %gather3A_703 : memref<32x512xf32, #tpu.memory_space<vmem>>[vector<16xi32>, vector<16xi32>], vector<16xf32>,
      %gather3A_704 = arith.constant 9 : i32
      %gather3A_705 = arith.constant 0 : i32
      %gather3A_706 = arith.constant 0 : i32
      %gather3A_707 = tpu.memref_slice %arg7[%gather3A_704, %gather3A_705, %gather3A_706] : memref<16x32x128xf32, #tpu.memory_space<vmem>> -> memref<1x32x128xf32, #tpu.memory_space<vmem>>
      %gather3A_708 = tpu.memref_squeeze %gather3A_707 : memref<1x32x128xf32, #tpu.memory_space<vmem>> -> memref<32x128xf32, #tpu.memory_space<vmem>>
      %gather3A_709 = tpu.vector_load_idx %gather3A_708[%add3A_9, %broadcast_in_dim3A_692] : memref<32x128xf32, #tpu.memory_space<vmem>>[vector<16xi32>, vector<16xi32>], vector<16xf32>,
      tpu.vector_store_idx %arg8[%add3A_9, %broadcast_in_dim3A_697], %gather3A_709 : memref<32x512xf32, #tpu.memory_space<vmem>>[vector<16xi32>, vector<16xi32>], vector<16xf32>,
      %add3A_710 = arith.constant 1 : i32
      %add3A_711 = arith.addi %scan3A_285, %add3A_710 : i32
      %lt3A_712 = arith.constant 32 : i32
      %lt3A_713 = arith.cmpi slt, %add3A_711, %lt3A_712 : i32
      %convert_element_type3A_714 = arith.extui %lt3A_713 : i1 to i32
      %cond3A_715 = arith.constant 0 : i32
      %cond3A_716 = arith.cmpi ne, %convert_element_type3A_714, %cond3A_715 : i32
      scf.if %cond3A_716 {
        %slice3A_969 = vector.extract_strided_slice %and3A_301 {offsets = [9], sizes = [1], strides = [1]} : vector<16xi32> to vector<1xi32>
        %squeeze3A_970 = vector.extract %slice3A_969[0] : i32 from vector<1xi32>
        %multiple_of3A_971 = tpu.assume_multiple %squeeze3A_970, 128 : i32
        %dma_start3A_972 = arith.constant 9 : i32
        %dma_start3A_973 = arith.constant 0 : i32
        %dma_start3A_974 = arith.constant 0 : i32
        %dma_start3A_975 = tpu.memref_slice %arg7[%dma_start3A_972, %dma_start3A_973, %dma_start3A_974] : memref<16x32x128xf32, #tpu.memory_space<vmem>> -> memref<1x32x128xf32, #tpu.memory_space<vmem>>
        %dma_start3A_976 = tpu.memref_squeeze %dma_start3A_975 : memref<1x32x128xf32, #tpu.memory_space<vmem>> -> memref<32x128xf32, #tpu.memory_space<vmem>>
        %dma_start3A_977 = arith.constant 0 : i32
        %dma_start3A_978 = tpu.memref_slice %arg2[%dma_start3A_977, %multiple_of3A_971] : memref<32x1000000xf32, #tpu.memory_space<hbm>> -> memref<32x128xf32, #tpu.memory_space<hbm>>
        %dma_start3A_979 = arith.constant 0 : i32
        %dma_start3A_980 = arith.constant 0 : i32
        %dma_start3A_981 = tpu.memref_slice %arg7[%dma_start3A_972, %dma_start3A_979, %dma_start3A_980] : memref<16x32x128xf32, #tpu.memory_space<vmem>> -> memref<1x32x128xf32, #tpu.memory_space<vmem>>
        %dma_start3A_982 = tpu.memref_squeeze %dma_start3A_981 : memref<1x32x128xf32, #tpu.memory_space<vmem>> -> memref<32x128xf32, #tpu.memory_space<vmem>>
        %dma_start3A_983 = arith.constant 0 : i32
        %dma_start3A_984 = tpu.memref_slice %arg2[%dma_start3A_983, %multiple_of3A_971] : memref<32x1000000xf32, #tpu.memory_space<hbm>> -> memref<32x128xf32, #tpu.memory_space<hbm>>
        tpu.enqueue_dma source(%dma_start3A_984 : memref<32x128xf32, #tpu.memory_space<hbm>>) target(%dma_start3A_982 : memref<32x128xf32, #tpu.memory_space<vmem>>) target_semaphore(%arg18 : memref<!tpu.dma_semaphore, #tpu.memory_space<semaphore_mem>>)
      } else {
      }
      %dma_wait3A_717 = arith.constant 10 : i32
      %dma_wait3A_718 = arith.constant 0 : i32
      %dma_wait3A_719 = arith.constant 0 : i32
      %dma_wait3A_720 = tpu.memref_slice %arg7[%dma_wait3A_717, %dma_wait3A_718, %dma_wait3A_719] : memref<16x32x128xf32, #tpu.memory_space<vmem>> -> memref<1x32x128xf32, #tpu.memory_space<vmem>>
      %dma_wait3A_721 = tpu.memref_squeeze %dma_wait3A_720 : memref<1x32x128xf32, #tpu.memory_space<vmem>> -> memref<32x128xf32, #tpu.memory_space<vmem>>
      %dma_wait3A_722 = arith.constant 0 : i32
      %dma_wait3A_723 = arith.constant 0 : i32
      %dma_wait3A_724 = tpu.memref_slice %arg2[%dma_wait3A_722, %dma_wait3A_723] : memref<32x1000000xf32, #tpu.memory_space<hbm>> -> memref<32x128xf32, #tpu.memory_space<hbm>>
      %dma_wait3A_725 = arith.constant 0 : i32
      %dma_wait3A_726 = arith.constant 0 : i32
      %dma_wait3A_727 = tpu.memref_slice %arg7[%dma_wait3A_717, %dma_wait3A_725, %dma_wait3A_726] : memref<16x32x128xf32, #tpu.memory_space<vmem>> -> memref<1x32x128xf32, #tpu.memory_space<vmem>>
      %dma_wait3A_728 = tpu.memref_squeeze %dma_wait3A_727 : memref<1x32x128xf32, #tpu.memory_space<vmem>> -> memref<32x128xf32, #tpu.memory_space<vmem>>
      %dma_wait3A_729 = arith.constant 0 : i32
      %dma_wait3A_730 = arith.constant 0 : i32
      %dma_wait3A_731 = tpu.memref_slice %arg2[%dma_wait3A_729, %dma_wait3A_730] : memref<32x1000000xf32, #tpu.memory_space<hbm>> -> memref<32x128xf32, #tpu.memory_space<hbm>>
      tpu.wait_dma2 semaphore(%arg19 : memref<!tpu.dma_semaphore, #tpu.memory_space<semaphore_mem>>) src(%dma_wait3A_731 : memref<32x128xf32, #tpu.memory_space<hbm>>) dst(%dma_wait3A_728 : memref<32x128xf32, #tpu.memory_space<vmem>>)
      %slice3A_732 = vector.extract_strided_slice %and3A_292 {offsets = [10], sizes = [1], strides = [1]} : vector<16xi32> to vector<1xi32>
      %squeeze3A_733 = vector.extract %slice3A_732[0] : i32 from vector<1xi32>
      %broadcast_in_dim3A_734 = vector.broadcast %squeeze3A_733 : i32 to vector<16xi32>
      %mul3A_735 = arith.constant 16 : i32
      %mul3A_736 = arith.muli %scan3A_285, %mul3A_735 : i32
      %add3A_737 = arith.constant 10 : i32
      %add3A_738 = arith.addi %mul3A_736, %add3A_737 : i32
      %broadcast_in_dim3A_739 = vector.broadcast %add3A_738 : i32 to vector<16xi32>
      %gather3A_740 = arith.constant 10 : i32
      %gather3A_741 = arith.constant 0 : i32
      %gather3A_742 = arith.constant 0 : i32
      %gather3A_743 = tpu.memref_slice %arg7[%gather3A_740, %gather3A_741, %gather3A_742] : memref<16x32x128xf32, #tpu.memory_space<vmem>> -> memref<1x32x128xf32, #tpu.memory_space<vmem>>
      %gather3A_744 = tpu.memref_squeeze %gather3A_743 : memref<1x32x128xf32, #tpu.memory_space<vmem>> -> memref<32x128xf32, #tpu.memory_space<vmem>>
      %gather3A_745 = tpu.vector_load_idx %gather3A_744[%add3A_5, %broadcast_in_dim3A_734] : memref<32x128xf32, #tpu.memory_space<vmem>>[vector<16xi32>, vector<16xi32>], vector<16xf32>,
      tpu.vector_store_idx %arg8[%add3A_5, %broadcast_in_dim3A_739], %gather3A_745 : memref<32x512xf32, #tpu.memory_space<vmem>>[vector<16xi32>, vector<16xi32>], vector<16xf32>,
      %gather3A_746 = arith.constant 10 : i32
      %gather3A_747 = arith.constant 0 : i32
      %gather3A_748 = arith.constant 0 : i32
      %gather3A_749 = tpu.memref_slice %arg7[%gather3A_746, %gather3A_747, %gather3A_748] : memref<16x32x128xf32, #tpu.memory_space<vmem>> -> memref<1x32x128xf32, #tpu.memory_space<vmem>>
      %gather3A_750 = tpu.memref_squeeze %gather3A_749 : memref<1x32x128xf32, #tpu.memory_space<vmem>> -> memref<32x128xf32, #tpu.memory_space<vmem>>
      %gather3A_751 = tpu.vector_load_idx %gather3A_750[%add3A_9, %broadcast_in_dim3A_734] : memref<32x128xf32, #tpu.memory_space<vmem>>[vector<16xi32>, vector<16xi32>], vector<16xf32>,
      tpu.vector_store_idx %arg8[%add3A_9, %broadcast_in_dim3A_739], %gather3A_751 : memref<32x512xf32, #tpu.memory_space<vmem>>[vector<16xi32>, vector<16xi32>], vector<16xf32>,
      %add3A_752 = arith.constant 1 : i32
      %add3A_753 = arith.addi %scan3A_285, %add3A_752 : i32
      %lt3A_754 = arith.constant 32 : i32
      %lt3A_755 = arith.cmpi slt, %add3A_753, %lt3A_754 : i32
      %convert_element_type3A_756 = arith.extui %lt3A_755 : i1 to i32
      %cond3A_757 = arith.constant 0 : i32
      %cond3A_758 = arith.cmpi ne, %convert_element_type3A_756, %cond3A_757 : i32
      scf.if %cond3A_758 {
        %slice3A_969 = vector.extract_strided_slice %and3A_301 {offsets = [10], sizes = [1], strides = [1]} : vector<16xi32> to vector<1xi32>
        %squeeze3A_970 = vector.extract %slice3A_969[0] : i32 from vector<1xi32>
        %multiple_of3A_971 = tpu.assume_multiple %squeeze3A_970, 128 : i32
        %dma_start3A_972 = arith.constant 10 : i32
        %dma_start3A_973 = arith.constant 0 : i32
        %dma_start3A_974 = arith.constant 0 : i32
        %dma_start3A_975 = tpu.memref_slice %arg7[%dma_start3A_972, %dma_start3A_973, %dma_start3A_974] : memref<16x32x128xf32, #tpu.memory_space<vmem>> -> memref<1x32x128xf32, #tpu.memory_space<vmem>>
        %dma_start3A_976 = tpu.memref_squeeze %dma_start3A_975 : memref<1x32x128xf32, #tpu.memory_space<vmem>> -> memref<32x128xf32, #tpu.memory_space<vmem>>
        %dma_start3A_977 = arith.constant 0 : i32
        %dma_start3A_978 = tpu.memref_slice %arg2[%dma_start3A_977, %multiple_of3A_971] : memref<32x1000000xf32, #tpu.memory_space<hbm>> -> memref<32x128xf32, #tpu.memory_space<hbm>>
        %dma_start3A_979 = arith.constant 0 : i32
        %dma_start3A_980 = arith.constant 0 : i32
        %dma_start3A_981 = tpu.memref_slice %arg7[%dma_start3A_972, %dma_start3A_979, %dma_start3A_980] : memref<16x32x128xf32, #tpu.memory_space<vmem>> -> memref<1x32x128xf32, #tpu.memory_space<vmem>>
        %dma_start3A_982 = tpu.memref_squeeze %dma_start3A_981 : memref<1x32x128xf32, #tpu.memory_space<vmem>> -> memref<32x128xf32, #tpu.memory_space<vmem>>
        %dma_start3A_983 = arith.constant 0 : i32
        %dma_start3A_984 = tpu.memref_slice %arg2[%dma_start3A_983, %multiple_of3A_971] : memref<32x1000000xf32, #tpu.memory_space<hbm>> -> memref<32x128xf32, #tpu.memory_space<hbm>>
        tpu.enqueue_dma source(%dma_start3A_984 : memref<32x128xf32, #tpu.memory_space<hbm>>) target(%dma_start3A_982 : memref<32x128xf32, #tpu.memory_space<vmem>>) target_semaphore(%arg19 : memref<!tpu.dma_semaphore, #tpu.memory_space<semaphore_mem>>)
      } else {
      }
      %dma_wait3A_759 = arith.constant 11 : i32
      %dma_wait3A_760 = arith.constant 0 : i32
      %dma_wait3A_761 = arith.constant 0 : i32
      %dma_wait3A_762 = tpu.memref_slice %arg7[%dma_wait3A_759, %dma_wait3A_760, %dma_wait3A_761] : memref<16x32x128xf32, #tpu.memory_space<vmem>> -> memref<1x32x128xf32, #tpu.memory_space<vmem>>
      %dma_wait3A_763 = tpu.memref_squeeze %dma_wait3A_762 : memref<1x32x128xf32, #tpu.memory_space<vmem>> -> memref<32x128xf32, #tpu.memory_space<vmem>>
      %dma_wait3A_764 = arith.constant 0 : i32
      %dma_wait3A_765 = arith.constant 0 : i32
      %dma_wait3A_766 = tpu.memref_slice %arg2[%dma_wait3A_764, %dma_wait3A_765] : memref<32x1000000xf32, #tpu.memory_space<hbm>> -> memref<32x128xf32, #tpu.memory_space<hbm>>
      %dma_wait3A_767 = arith.constant 0 : i32
      %dma_wait3A_768 = arith.constant 0 : i32
      %dma_wait3A_769 = tpu.memref_slice %arg7[%dma_wait3A_759, %dma_wait3A_767, %dma_wait3A_768] : memref<16x32x128xf32, #tpu.memory_space<vmem>> -> memref<1x32x128xf32, #tpu.memory_space<vmem>>
      %dma_wait3A_770 = tpu.memref_squeeze %dma_wait3A_769 : memref<1x32x128xf32, #tpu.memory_space<vmem>> -> memref<32x128xf32, #tpu.memory_space<vmem>>
      %dma_wait3A_771 = arith.constant 0 : i32
      %dma_wait3A_772 = arith.constant 0 : i32
      %dma_wait3A_773 = tpu.memref_slice %arg2[%dma_wait3A_771, %dma_wait3A_772] : memref<32x1000000xf32, #tpu.memory_space<hbm>> -> memref<32x128xf32, #tpu.memory_space<hbm>>
      tpu.wait_dma2 semaphore(%arg20 : memref<!tpu.dma_semaphore, #tpu.memory_space<semaphore_mem>>) src(%dma_wait3A_773 : memref<32x128xf32, #tpu.memory_space<hbm>>) dst(%dma_wait3A_770 : memref<32x128xf32, #tpu.memory_space<vmem>>)
      %slice3A_774 = vector.extract_strided_slice %and3A_292 {offsets = [11], sizes = [1], strides = [1]} : vector<16xi32> to vector<1xi32>
      %squeeze3A_775 = vector.extract %slice3A_774[0] : i32 from vector<1xi32>
      %broadcast_in_dim3A_776 = vector.broadcast %squeeze3A_775 : i32 to vector<16xi32>
      %mul3A_777 = arith.constant 16 : i32
      %mul3A_778 = arith.muli %scan3A_285, %mul3A_777 : i32
      %add3A_779 = arith.constant 11 : i32
      %add3A_780 = arith.addi %mul3A_778, %add3A_779 : i32
      %broadcast_in_dim3A_781 = vector.broadcast %add3A_780 : i32 to vector<16xi32>
      %gather3A_782 = arith.constant 11 : i32
      %gather3A_783 = arith.constant 0 : i32
      %gather3A_784 = arith.constant 0 : i32
      %gather3A_785 = tpu.memref_slice %arg7[%gather3A_782, %gather3A_783, %gather3A_784] : memref<16x32x128xf32, #tpu.memory_space<vmem>> -> memref<1x32x128xf32, #tpu.memory_space<vmem>>
      %gather3A_786 = tpu.memref_squeeze %gather3A_785 : memref<1x32x128xf32, #tpu.memory_space<vmem>> -> memref<32x128xf32, #tpu.memory_space<vmem>>
      %gather3A_787 = tpu.vector_load_idx %gather3A_786[%add3A_5, %broadcast_in_dim3A_776] : memref<32x128xf32, #tpu.memory_space<vmem>>[vector<16xi32>, vector<16xi32>], vector<16xf32>,
      tpu.vector_store_idx %arg8[%add3A_5, %broadcast_in_dim3A_781], %gather3A_787 : memref<32x512xf32, #tpu.memory_space<vmem>>[vector<16xi32>, vector<16xi32>], vector<16xf32>,
      %gather3A_788 = arith.constant 11 : i32
      %gather3A_789 = arith.constant 0 : i32
      %gather3A_790 = arith.constant 0 : i32
      %gather3A_791 = tpu.memref_slice %arg7[%gather3A_788, %gather3A_789, %gather3A_790] : memref<16x32x128xf32, #tpu.memory_space<vmem>> -> memref<1x32x128xf32, #tpu.memory_space<vmem>>
      %gather3A_792 = tpu.memref_squeeze %gather3A_791 : memref<1x32x128xf32, #tpu.memory_space<vmem>> -> memref<32x128xf32, #tpu.memory_space<vmem>>
      %gather3A_793 = tpu.vector_load_idx %gather3A_792[%add3A_9, %broadcast_in_dim3A_776] : memref<32x128xf32, #tpu.memory_space<vmem>>[vector<16xi32>, vector<16xi32>], vector<16xf32>,
      tpu.vector_store_idx %arg8[%add3A_9, %broadcast_in_dim3A_781], %gather3A_793 : memref<32x512xf32, #tpu.memory_space<vmem>>[vector<16xi32>, vector<16xi32>], vector<16xf32>,
      %add3A_794 = arith.constant 1 : i32
      %add3A_795 = arith.addi %scan3A_285, %add3A_794 : i32
      %lt3A_796 = arith.constant 32 : i32
      %lt3A_797 = arith.cmpi slt, %add3A_795, %lt3A_796 : i32
      %convert_element_type3A_798 = arith.extui %lt3A_797 : i1 to i32
      %cond3A_799 = arith.constant 0 : i32
      %cond3A_800 = arith.cmpi ne, %convert_element_type3A_798, %cond3A_799 : i32
      scf.if %cond3A_800 {
        %slice3A_969 = vector.extract_strided_slice %and3A_301 {offsets = [11], sizes = [1], strides = [1]} : vector<16xi32> to vector<1xi32>
        %squeeze3A_970 = vector.extract %slice3A_969[0] : i32 from vector<1xi32>
        %multiple_of3A_971 = tpu.assume_multiple %squeeze3A_970, 128 : i32
        %dma_start3A_972 = arith.constant 11 : i32
        %dma_start3A_973 = arith.constant 0 : i32
        %dma_start3A_974 = arith.constant 0 : i32
        %dma_start3A_975 = tpu.memref_slice %arg7[%dma_start3A_972, %dma_start3A_973, %dma_start3A_974] : memref<16x32x128xf32, #tpu.memory_space<vmem>> -> memref<1x32x128xf32, #tpu.memory_space<vmem>>
        %dma_start3A_976 = tpu.memref_squeeze %dma_start3A_975 : memref<1x32x128xf32, #tpu.memory_space<vmem>> -> memref<32x128xf32, #tpu.memory_space<vmem>>
        %dma_start3A_977 = arith.constant 0 : i32
        %dma_start3A_978 = tpu.memref_slice %arg2[%dma_start3A_977, %multiple_of3A_971] : memref<32x1000000xf32, #tpu.memory_space<hbm>> -> memref<32x128xf32, #tpu.memory_space<hbm>>
        %dma_start3A_979 = arith.constant 0 : i32
        %dma_start3A_980 = arith.constant 0 : i32
        %dma_start3A_981 = tpu.memref_slice %arg7[%dma_start3A_972, %dma_start3A_979, %dma_start3A_980] : memref<16x32x128xf32, #tpu.memory_space<vmem>> -> memref<1x32x128xf32, #tpu.memory_space<vmem>>
        %dma_start3A_982 = tpu.memref_squeeze %dma_start3A_981 : memref<1x32x128xf32, #tpu.memory_space<vmem>> -> memref<32x128xf32, #tpu.memory_space<vmem>>
        %dma_start3A_983 = arith.constant 0 : i32
        %dma_start3A_984 = tpu.memref_slice %arg2[%dma_start3A_983, %multiple_of3A_971] : memref<32x1000000xf32, #tpu.memory_space<hbm>> -> memref<32x128xf32, #tpu.memory_space<hbm>>
        tpu.enqueue_dma source(%dma_start3A_984 : memref<32x128xf32, #tpu.memory_space<hbm>>) target(%dma_start3A_982 : memref<32x128xf32, #tpu.memory_space<vmem>>) target_semaphore(%arg20 : memref<!tpu.dma_semaphore, #tpu.memory_space<semaphore_mem>>)
      } else {
      }
      %dma_wait3A_801 = arith.constant 12 : i32
      %dma_wait3A_802 = arith.constant 0 : i32
      %dma_wait3A_803 = arith.constant 0 : i32
      %dma_wait3A_804 = tpu.memref_slice %arg7[%dma_wait3A_801, %dma_wait3A_802, %dma_wait3A_803] : memref<16x32x128xf32, #tpu.memory_space<vmem>> -> memref<1x32x128xf32, #tpu.memory_space<vmem>>
      %dma_wait3A_805 = tpu.memref_squeeze %dma_wait3A_804 : memref<1x32x128xf32, #tpu.memory_space<vmem>> -> memref<32x128xf32, #tpu.memory_space<vmem>>
      %dma_wait3A_806 = arith.constant 0 : i32
      %dma_wait3A_807 = arith.constant 0 : i32
      %dma_wait3A_808 = tpu.memref_slice %arg2[%dma_wait3A_806, %dma_wait3A_807] : memref<32x1000000xf32, #tpu.memory_space<hbm>> -> memref<32x128xf32, #tpu.memory_space<hbm>>
      %dma_wait3A_809 = arith.constant 0 : i32
      %dma_wait3A_810 = arith.constant 0 : i32
      %dma_wait3A_811 = tpu.memref_slice %arg7[%dma_wait3A_801, %dma_wait3A_809, %dma_wait3A_810] : memref<16x32x128xf32, #tpu.memory_space<vmem>> -> memref<1x32x128xf32, #tpu.memory_space<vmem>>
      %dma_wait3A_812 = tpu.memref_squeeze %dma_wait3A_811 : memref<1x32x128xf32, #tpu.memory_space<vmem>> -> memref<32x128xf32, #tpu.memory_space<vmem>>
      %dma_wait3A_813 = arith.constant 0 : i32
      %dma_wait3A_814 = arith.constant 0 : i32
      %dma_wait3A_815 = tpu.memref_slice %arg2[%dma_wait3A_813, %dma_wait3A_814] : memref<32x1000000xf32, #tpu.memory_space<hbm>> -> memref<32x128xf32, #tpu.memory_space<hbm>>
      tpu.wait_dma2 semaphore(%arg21 : memref<!tpu.dma_semaphore, #tpu.memory_space<semaphore_mem>>) src(%dma_wait3A_815 : memref<32x128xf32, #tpu.memory_space<hbm>>) dst(%dma_wait3A_812 : memref<32x128xf32, #tpu.memory_space<vmem>>)
      %slice3A_816 = vector.extract_strided_slice %and3A_292 {offsets = [12], sizes = [1], strides = [1]} : vector<16xi32> to vector<1xi32>
      %squeeze3A_817 = vector.extract %slice3A_816[0] : i32 from vector<1xi32>
      %broadcast_in_dim3A_818 = vector.broadcast %squeeze3A_817 : i32 to vector<16xi32>
      %mul3A_819 = arith.constant 16 : i32
      %mul3A_820 = arith.muli %scan3A_285, %mul3A_819 : i32
      %add3A_821 = arith.constant 12 : i32
      %add3A_822 = arith.addi %mul3A_820, %add3A_821 : i32
      %broadcast_in_dim3A_823 = vector.broadcast %add3A_822 : i32 to vector<16xi32>
      %gather3A_824 = arith.constant 12 : i32
      %gather3A_825 = arith.constant 0 : i32
      %gather3A_826 = arith.constant 0 : i32
      %gather3A_827 = tpu.memref_slice %arg7[%gather3A_824, %gather3A_825, %gather3A_826] : memref<16x32x128xf32, #tpu.memory_space<vmem>> -> memref<1x32x128xf32, #tpu.memory_space<vmem>>
      %gather3A_828 = tpu.memref_squeeze %gather3A_827 : memref<1x32x128xf32, #tpu.memory_space<vmem>> -> memref<32x128xf32, #tpu.memory_space<vmem>>
      %gather3A_829 = tpu.vector_load_idx %gather3A_828[%add3A_5, %broadcast_in_dim3A_818] : memref<32x128xf32, #tpu.memory_space<vmem>>[vector<16xi32>, vector<16xi32>], vector<16xf32>,
      tpu.vector_store_idx %arg8[%add3A_5, %broadcast_in_dim3A_823], %gather3A_829 : memref<32x512xf32, #tpu.memory_space<vmem>>[vector<16xi32>, vector<16xi32>], vector<16xf32>,
      %gather3A_830 = arith.constant 12 : i32
      %gather3A_831 = arith.constant 0 : i32
      %gather3A_832 = arith.constant 0 : i32
      %gather3A_833 = tpu.memref_slice %arg7[%gather3A_830, %gather3A_831, %gather3A_832] : memref<16x32x128xf32, #tpu.memory_space<vmem>> -> memref<1x32x128xf32, #tpu.memory_space<vmem>>
      %gather3A_834 = tpu.memref_squeeze %gather3A_833 : memref<1x32x128xf32, #tpu.memory_space<vmem>> -> memref<32x128xf32, #tpu.memory_space<vmem>>
      %gather3A_835 = tpu.vector_load_idx %gather3A_834[%add3A_9, %broadcast_in_dim3A_818] : memref<32x128xf32, #tpu.memory_space<vmem>>[vector<16xi32>, vector<16xi32>], vector<16xf32>,
      tpu.vector_store_idx %arg8[%add3A_9, %broadcast_in_dim3A_823], %gather3A_835 : memref<32x512xf32, #tpu.memory_space<vmem>>[vector<16xi32>, vector<16xi32>], vector<16xf32>,
      %add3A_836 = arith.constant 1 : i32
      %add3A_837 = arith.addi %scan3A_285, %add3A_836 : i32
      %lt3A_838 = arith.constant 32 : i32
      %lt3A_839 = arith.cmpi slt, %add3A_837, %lt3A_838 : i32
      %convert_element_type3A_840 = arith.extui %lt3A_839 : i1 to i32
      %cond3A_841 = arith.constant 0 : i32
      %cond3A_842 = arith.cmpi ne, %convert_element_type3A_840, %cond3A_841 : i32
      scf.if %cond3A_842 {
        %slice3A_969 = vector.extract_strided_slice %and3A_301 {offsets = [12], sizes = [1], strides = [1]} : vector<16xi32> to vector<1xi32>
        %squeeze3A_970 = vector.extract %slice3A_969[0] : i32 from vector<1xi32>
        %multiple_of3A_971 = tpu.assume_multiple %squeeze3A_970, 128 : i32
        %dma_start3A_972 = arith.constant 12 : i32
        %dma_start3A_973 = arith.constant 0 : i32
        %dma_start3A_974 = arith.constant 0 : i32
        %dma_start3A_975 = tpu.memref_slice %arg7[%dma_start3A_972, %dma_start3A_973, %dma_start3A_974] : memref<16x32x128xf32, #tpu.memory_space<vmem>> -> memref<1x32x128xf32, #tpu.memory_space<vmem>>
        %dma_start3A_976 = tpu.memref_squeeze %dma_start3A_975 : memref<1x32x128xf32, #tpu.memory_space<vmem>> -> memref<32x128xf32, #tpu.memory_space<vmem>>
        %dma_start3A_977 = arith.constant 0 : i32
        %dma_start3A_978 = tpu.memref_slice %arg2[%dma_start3A_977, %multiple_of3A_971] : memref<32x1000000xf32, #tpu.memory_space<hbm>> -> memref<32x128xf32, #tpu.memory_space<hbm>>
        %dma_start3A_979 = arith.constant 0 : i32
        %dma_start3A_980 = arith.constant 0 : i32
        %dma_start3A_981 = tpu.memref_slice %arg7[%dma_start3A_972, %dma_start3A_979, %dma_start3A_980] : memref<16x32x128xf32, #tpu.memory_space<vmem>> -> memref<1x32x128xf32, #tpu.memory_space<vmem>>
        %dma_start3A_982 = tpu.memref_squeeze %dma_start3A_981 : memref<1x32x128xf32, #tpu.memory_space<vmem>> -> memref<32x128xf32, #tpu.memory_space<vmem>>
        %dma_start3A_983 = arith.constant 0 : i32
        %dma_start3A_984 = tpu.memref_slice %arg2[%dma_start3A_983, %multiple_of3A_971] : memref<32x1000000xf32, #tpu.memory_space<hbm>> -> memref<32x128xf32, #tpu.memory_space<hbm>>
        tpu.enqueue_dma source(%dma_start3A_984 : memref<32x128xf32, #tpu.memory_space<hbm>>) target(%dma_start3A_982 : memref<32x128xf32, #tpu.memory_space<vmem>>) target_semaphore(%arg21 : memref<!tpu.dma_semaphore, #tpu.memory_space<semaphore_mem>>)
      } else {
      }
      %dma_wait3A_843 = arith.constant 13 : i32
      %dma_wait3A_844 = arith.constant 0 : i32
      %dma_wait3A_845 = arith.constant 0 : i32
      %dma_wait3A_846 = tpu.memref_slice %arg7[%dma_wait3A_843, %dma_wait3A_844, %dma_wait3A_845] : memref<16x32x128xf32, #tpu.memory_space<vmem>> -> memref<1x32x128xf32, #tpu.memory_space<vmem>>
      %dma_wait3A_847 = tpu.memref_squeeze %dma_wait3A_846 : memref<1x32x128xf32, #tpu.memory_space<vmem>> -> memref<32x128xf32, #tpu.memory_space<vmem>>
      %dma_wait3A_848 = arith.constant 0 : i32
      %dma_wait3A_849 = arith.constant 0 : i32
      %dma_wait3A_850 = tpu.memref_slice %arg2[%dma_wait3A_848, %dma_wait3A_849] : memref<32x1000000xf32, #tpu.memory_space<hbm>> -> memref<32x128xf32, #tpu.memory_space<hbm>>
      %dma_wait3A_851 = arith.constant 0 : i32
      %dma_wait3A_852 = arith.constant 0 : i32
      %dma_wait3A_853 = tpu.memref_slice %arg7[%dma_wait3A_843, %dma_wait3A_851, %dma_wait3A_852] : memref<16x32x128xf32, #tpu.memory_space<vmem>> -> memref<1x32x128xf32, #tpu.memory_space<vmem>>
      %dma_wait3A_854 = tpu.memref_squeeze %dma_wait3A_853 : memref<1x32x128xf32, #tpu.memory_space<vmem>> -> memref<32x128xf32, #tpu.memory_space<vmem>>
      %dma_wait3A_855 = arith.constant 0 : i32
      %dma_wait3A_856 = arith.constant 0 : i32
      %dma_wait3A_857 = tpu.memref_slice %arg2[%dma_wait3A_855, %dma_wait3A_856] : memref<32x1000000xf32, #tpu.memory_space<hbm>> -> memref<32x128xf32, #tpu.memory_space<hbm>>
      tpu.wait_dma2 semaphore(%arg22 : memref<!tpu.dma_semaphore, #tpu.memory_space<semaphore_mem>>) src(%dma_wait3A_857 : memref<32x128xf32, #tpu.memory_space<hbm>>) dst(%dma_wait3A_854 : memref<32x128xf32, #tpu.memory_space<vmem>>)
      %slice3A_858 = vector.extract_strided_slice %and3A_292 {offsets = [13], sizes = [1], strides = [1]} : vector<16xi32> to vector<1xi32>
      %squeeze3A_859 = vector.extract %slice3A_858[0] : i32 from vector<1xi32>
      %broadcast_in_dim3A_860 = vector.broadcast %squeeze3A_859 : i32 to vector<16xi32>
      %mul3A_861 = arith.constant 16 : i32
      %mul3A_862 = arith.muli %scan3A_285, %mul3A_861 : i32
      %add3A_863 = arith.constant 13 : i32
      %add3A_864 = arith.addi %mul3A_862, %add3A_863 : i32
      %broadcast_in_dim3A_865 = vector.broadcast %add3A_864 : i32 to vector<16xi32>
      %gather3A_866 = arith.constant 13 : i32
      %gather3A_867 = arith.constant 0 : i32
      %gather3A_868 = arith.constant 0 : i32
      %gather3A_869 = tpu.memref_slice %arg7[%gather3A_866, %gather3A_867, %gather3A_868] : memref<16x32x128xf32, #tpu.memory_space<vmem>> -> memref<1x32x128xf32, #tpu.memory_space<vmem>>
      %gather3A_870 = tpu.memref_squeeze %gather3A_869 : memref<1x32x128xf32, #tpu.memory_space<vmem>> -> memref<32x128xf32, #tpu.memory_space<vmem>>
      %gather3A_871 = tpu.vector_load_idx %gather3A_870[%add3A_5, %broadcast_in_dim3A_860] : memref<32x128xf32, #tpu.memory_space<vmem>>[vector<16xi32>, vector<16xi32>], vector<16xf32>,
      tpu.vector_store_idx %arg8[%add3A_5, %broadcast_in_dim3A_865], %gather3A_871 : memref<32x512xf32, #tpu.memory_space<vmem>>[vector<16xi32>, vector<16xi32>], vector<16xf32>,
      %gather3A_872 = arith.constant 13 : i32
      %gather3A_873 = arith.constant 0 : i32
      %gather3A_874 = arith.constant 0 : i32
      %gather3A_875 = tpu.memref_slice %arg7[%gather3A_872, %gather3A_873, %gather3A_874] : memref<16x32x128xf32, #tpu.memory_space<vmem>> -> memref<1x32x128xf32, #tpu.memory_space<vmem>>
      %gather3A_876 = tpu.memref_squeeze %gather3A_875 : memref<1x32x128xf32, #tpu.memory_space<vmem>> -> memref<32x128xf32, #tpu.memory_space<vmem>>
      %gather3A_877 = tpu.vector_load_idx %gather3A_876[%add3A_9, %broadcast_in_dim3A_860] : memref<32x128xf32, #tpu.memory_space<vmem>>[vector<16xi32>, vector<16xi32>], vector<16xf32>,
      tpu.vector_store_idx %arg8[%add3A_9, %broadcast_in_dim3A_865], %gather3A_877 : memref<32x512xf32, #tpu.memory_space<vmem>>[vector<16xi32>, vector<16xi32>], vector<16xf32>,
      %add3A_878 = arith.constant 1 : i32
      %add3A_879 = arith.addi %scan3A_285, %add3A_878 : i32
      %lt3A_880 = arith.constant 32 : i32
      %lt3A_881 = arith.cmpi slt, %add3A_879, %lt3A_880 : i32
      %convert_element_type3A_882 = arith.extui %lt3A_881 : i1 to i32
      %cond3A_883 = arith.constant 0 : i32
      %cond3A_884 = arith.cmpi ne, %convert_element_type3A_882, %cond3A_883 : i32
      scf.if %cond3A_884 {
        %slice3A_969 = vector.extract_strided_slice %and3A_301 {offsets = [13], sizes = [1], strides = [1]} : vector<16xi32> to vector<1xi32>
        %squeeze3A_970 = vector.extract %slice3A_969[0] : i32 from vector<1xi32>
        %multiple_of3A_971 = tpu.assume_multiple %squeeze3A_970, 128 : i32
        %dma_start3A_972 = arith.constant 13 : i32
        %dma_start3A_973 = arith.constant 0 : i32
        %dma_start3A_974 = arith.constant 0 : i32
        %dma_start3A_975 = tpu.memref_slice %arg7[%dma_start3A_972, %dma_start3A_973, %dma_start3A_974] : memref<16x32x128xf32, #tpu.memory_space<vmem>> -> memref<1x32x128xf32, #tpu.memory_space<vmem>>
        %dma_start3A_976 = tpu.memref_squeeze %dma_start3A_975 : memref<1x32x128xf32, #tpu.memory_space<vmem>> -> memref<32x128xf32, #tpu.memory_space<vmem>>
        %dma_start3A_977 = arith.constant 0 : i32
        %dma_start3A_978 = tpu.memref_slice %arg2[%dma_start3A_977, %multiple_of3A_971] : memref<32x1000000xf32, #tpu.memory_space<hbm>> -> memref<32x128xf32, #tpu.memory_space<hbm>>
        %dma_start3A_979 = arith.constant 0 : i32
        %dma_start3A_980 = arith.constant 0 : i32
        %dma_start3A_981 = tpu.memref_slice %arg7[%dma_start3A_972, %dma_start3A_979, %dma_start3A_980] : memref<16x32x128xf32, #tpu.memory_space<vmem>> -> memref<1x32x128xf32, #tpu.memory_space<vmem>>
        %dma_start3A_982 = tpu.memref_squeeze %dma_start3A_981 : memref<1x32x128xf32, #tpu.memory_space<vmem>> -> memref<32x128xf32, #tpu.memory_space<vmem>>
        %dma_start3A_983 = arith.constant 0 : i32
        %dma_start3A_984 = tpu.memref_slice %arg2[%dma_start3A_983, %multiple_of3A_971] : memref<32x1000000xf32, #tpu.memory_space<hbm>> -> memref<32x128xf32, #tpu.memory_space<hbm>>
        tpu.enqueue_dma source(%dma_start3A_984 : memref<32x128xf32, #tpu.memory_space<hbm>>) target(%dma_start3A_982 : memref<32x128xf32, #tpu.memory_space<vmem>>) target_semaphore(%arg22 : memref<!tpu.dma_semaphore, #tpu.memory_space<semaphore_mem>>)
      } else {
      }
      %dma_wait3A_885 = arith.constant 14 : i32
      %dma_wait3A_886 = arith.constant 0 : i32
      %dma_wait3A_887 = arith.constant 0 : i32
      %dma_wait3A_888 = tpu.memref_slice %arg7[%dma_wait3A_885, %dma_wait3A_886, %dma_wait3A_887] : memref<16x32x128xf32, #tpu.memory_space<vmem>> -> memref<1x32x128xf32, #tpu.memory_space<vmem>>
      %dma_wait3A_889 = tpu.memref_squeeze %dma_wait3A_888 : memref<1x32x128xf32, #tpu.memory_space<vmem>> -> memref<32x128xf32, #tpu.memory_space<vmem>>
      %dma_wait3A_890 = arith.constant 0 : i32
      %dma_wait3A_891 = arith.constant 0 : i32
      %dma_wait3A_892 = tpu.memref_slice %arg2[%dma_wait3A_890, %dma_wait3A_891] : memref<32x1000000xf32, #tpu.memory_space<hbm>> -> memref<32x128xf32, #tpu.memory_space<hbm>>
      %dma_wait3A_893 = arith.constant 0 : i32
      %dma_wait3A_894 = arith.constant 0 : i32
      %dma_wait3A_895 = tpu.memref_slice %arg7[%dma_wait3A_885, %dma_wait3A_893, %dma_wait3A_894] : memref<16x32x128xf32, #tpu.memory_space<vmem>> -> memref<1x32x128xf32, #tpu.memory_space<vmem>>
      %dma_wait3A_896 = tpu.memref_squeeze %dma_wait3A_895 : memref<1x32x128xf32, #tpu.memory_space<vmem>> -> memref<32x128xf32, #tpu.memory_space<vmem>>
      %dma_wait3A_897 = arith.constant 0 : i32
      %dma_wait3A_898 = arith.constant 0 : i32
      %dma_wait3A_899 = tpu.memref_slice %arg2[%dma_wait3A_897, %dma_wait3A_898] : memref<32x1000000xf32, #tpu.memory_space<hbm>> -> memref<32x128xf32, #tpu.memory_space<hbm>>
      tpu.wait_dma2 semaphore(%arg23 : memref<!tpu.dma_semaphore, #tpu.memory_space<semaphore_mem>>) src(%dma_wait3A_899 : memref<32x128xf32, #tpu.memory_space<hbm>>) dst(%dma_wait3A_896 : memref<32x128xf32, #tpu.memory_space<vmem>>)
      %slice3A_900 = vector.extract_strided_slice %and3A_292 {offsets = [14], sizes = [1], strides = [1]} : vector<16xi32> to vector<1xi32>
      %squeeze3A_901 = vector.extract %slice3A_900[0] : i32 from vector<1xi32>
      %broadcast_in_dim3A_902 = vector.broadcast %squeeze3A_901 : i32 to vector<16xi32>
      %mul3A_903 = arith.constant 16 : i32
      %mul3A_904 = arith.muli %scan3A_285, %mul3A_903 : i32
      %add3A_905 = arith.constant 14 : i32
      %add3A_906 = arith.addi %mul3A_904, %add3A_905 : i32
      %broadcast_in_dim3A_907 = vector.broadcast %add3A_906 : i32 to vector<16xi32>
      %gather3A_908 = arith.constant 14 : i32
      %gather3A_909 = arith.constant 0 : i32
      %gather3A_910 = arith.constant 0 : i32
      %gather3A_911 = tpu.memref_slice %arg7[%gather3A_908, %gather3A_909, %gather3A_910] : memref<16x32x128xf32, #tpu.memory_space<vmem>> -> memref<1x32x128xf32, #tpu.memory_space<vmem>>
      %gather3A_912 = tpu.memref_squeeze %gather3A_911 : memref<1x32x128xf32, #tpu.memory_space<vmem>> -> memref<32x128xf32, #tpu.memory_space<vmem>>
      %gather3A_913 = tpu.vector_load_idx %gather3A_912[%add3A_5, %broadcast_in_dim3A_902] : memref<32x128xf32, #tpu.memory_space<vmem>>[vector<16xi32>, vector<16xi32>], vector<16xf32>,
      tpu.vector_store_idx %arg8[%add3A_5, %broadcast_in_dim3A_907], %gather3A_913 : memref<32x512xf32, #tpu.memory_space<vmem>>[vector<16xi32>, vector<16xi32>], vector<16xf32>,
      %gather3A_914 = arith.constant 14 : i32
      %gather3A_915 = arith.constant 0 : i32
      %gather3A_916 = arith.constant 0 : i32
      %gather3A_917 = tpu.memref_slice %arg7[%gather3A_914, %gather3A_915, %gather3A_916] : memref<16x32x128xf32, #tpu.memory_space<vmem>> -> memref<1x32x128xf32, #tpu.memory_space<vmem>>
      %gather3A_918 = tpu.memref_squeeze %gather3A_917 : memref<1x32x128xf32, #tpu.memory_space<vmem>> -> memref<32x128xf32, #tpu.memory_space<vmem>>
      %gather3A_919 = tpu.vector_load_idx %gather3A_918[%add3A_9, %broadcast_in_dim3A_902] : memref<32x128xf32, #tpu.memory_space<vmem>>[vector<16xi32>, vector<16xi32>], vector<16xf32>,
      tpu.vector_store_idx %arg8[%add3A_9, %broadcast_in_dim3A_907], %gather3A_919 : memref<32x512xf32, #tpu.memory_space<vmem>>[vector<16xi32>, vector<16xi32>], vector<16xf32>,
      %add3A_920 = arith.constant 1 : i32
      %add3A_921 = arith.addi %scan3A_285, %add3A_920 : i32
      %lt3A_922 = arith.constant 32 : i32
      %lt3A_923 = arith.cmpi slt, %add3A_921, %lt3A_922 : i32
      %convert_element_type3A_924 = arith.extui %lt3A_923 : i1 to i32
      %cond3A_925 = arith.constant 0 : i32
      %cond3A_926 = arith.cmpi ne, %convert_element_type3A_924, %cond3A_925 : i32
      scf.if %cond3A_926 {
        %slice3A_969 = vector.extract_strided_slice %and3A_301 {offsets = [14], sizes = [1], strides = [1]} : vector<16xi32> to vector<1xi32>
        %squeeze3A_970 = vector.extract %slice3A_969[0] : i32 from vector<1xi32>
        %multiple_of3A_971 = tpu.assume_multiple %squeeze3A_970, 128 : i32
        %dma_start3A_972 = arith.constant 14 : i32
        %dma_start3A_973 = arith.constant 0 : i32
        %dma_start3A_974 = arith.constant 0 : i32
        %dma_start3A_975 = tpu.memref_slice %arg7[%dma_start3A_972, %dma_start3A_973, %dma_start3A_974] : memref<16x32x128xf32, #tpu.memory_space<vmem>> -> memref<1x32x128xf32, #tpu.memory_space<vmem>>
        %dma_start3A_976 = tpu.memref_squeeze %dma_start3A_975 : memref<1x32x128xf32, #tpu.memory_space<vmem>> -> memref<32x128xf32, #tpu.memory_space<vmem>>
        %dma_start3A_977 = arith.constant 0 : i32
        %dma_start3A_978 = tpu.memref_slice %arg2[%dma_start3A_977, %multiple_of3A_971] : memref<32x1000000xf32, #tpu.memory_space<hbm>> -> memref<32x128xf32, #tpu.memory_space<hbm>>
        %dma_start3A_979 = arith.constant 0 : i32
        %dma_start3A_980 = arith.constant 0 : i32
        %dma_start3A_981 = tpu.memref_slice %arg7[%dma_start3A_972, %dma_start3A_979, %dma_start3A_980] : memref<16x32x128xf32, #tpu.memory_space<vmem>> -> memref<1x32x128xf32, #tpu.memory_space<vmem>>
        %dma_start3A_982 = tpu.memref_squeeze %dma_start3A_981 : memref<1x32x128xf32, #tpu.memory_space<vmem>> -> memref<32x128xf32, #tpu.memory_space<vmem>>
        %dma_start3A_983 = arith.constant 0 : i32
        %dma_start3A_984 = tpu.memref_slice %arg2[%dma_start3A_983, %multiple_of3A_971] : memref<32x1000000xf32, #tpu.memory_space<hbm>> -> memref<32x128xf32, #tpu.memory_space<hbm>>
        tpu.enqueue_dma source(%dma_start3A_984 : memref<32x128xf32, #tpu.memory_space<hbm>>) target(%dma_start3A_982 : memref<32x128xf32, #tpu.memory_space<vmem>>) target_semaphore(%arg23 : memref<!tpu.dma_semaphore, #tpu.memory_space<semaphore_mem>>)
      } else {
      }
      %dma_wait3A_927 = arith.constant 15 : i32
      %dma_wait3A_928 = arith.constant 0 : i32
      %dma_wait3A_929 = arith.constant 0 : i32
      %dma_wait3A_930 = tpu.memref_slice %arg7[%dma_wait3A_927, %dma_wait3A_928, %dma_wait3A_929] : memref<16x32x128xf32, #tpu.memory_space<vmem>> -> memref<1x32x128xf32, #tpu.memory_space<vmem>>
      %dma_wait3A_931 = tpu.memref_squeeze %dma_wait3A_930 : memref<1x32x128xf32, #tpu.memory_space<vmem>> -> memref<32x128xf32, #tpu.memory_space<vmem>>
      %dma_wait3A_932 = arith.constant 0 : i32
      %dma_wait3A_933 = arith.constant 0 : i32
      %dma_wait3A_934 = tpu.memref_slice %arg2[%dma_wait3A_932, %dma_wait3A_933] : memref<32x1000000xf32, #tpu.memory_space<hbm>> -> memref<32x128xf32, #tpu.memory_space<hbm>>
      %dma_wait3A_935 = arith.constant 0 : i32
      %dma_wait3A_936 = arith.constant 0 : i32
      %dma_wait3A_937 = tpu.memref_slice %arg7[%dma_wait3A_927, %dma_wait3A_935, %dma_wait3A_936] : memref<16x32x128xf32, #tpu.memory_space<vmem>> -> memref<1x32x128xf32, #tpu.memory_space<vmem>>
      %dma_wait3A_938 = tpu.memref_squeeze %dma_wait3A_937 : memref<1x32x128xf32, #tpu.memory_space<vmem>> -> memref<32x128xf32, #tpu.memory_space<vmem>>
      %dma_wait3A_939 = arith.constant 0 : i32
      %dma_wait3A_940 = arith.constant 0 : i32
      %dma_wait3A_941 = tpu.memref_slice %arg2[%dma_wait3A_939, %dma_wait3A_940] : memref<32x1000000xf32, #tpu.memory_space<hbm>> -> memref<32x128xf32, #tpu.memory_space<hbm>>
      tpu.wait_dma2 semaphore(%arg24 : memref<!tpu.dma_semaphore, #tpu.memory_space<semaphore_mem>>) src(%dma_wait3A_941 : memref<32x128xf32, #tpu.memory_space<hbm>>) dst(%dma_wait3A_938 : memref<32x128xf32, #tpu.memory_space<vmem>>)
      %slice3A_942 = vector.extract_strided_slice %and3A_292 {offsets = [15], sizes = [1], strides = [1]} : vector<16xi32> to vector<1xi32>
      %squeeze3A_943 = vector.extract %slice3A_942[0] : i32 from vector<1xi32>
      %broadcast_in_dim3A_944 = vector.broadcast %squeeze3A_943 : i32 to vector<16xi32>
      %mul3A_945 = arith.constant 16 : i32
      %mul3A_946 = arith.muli %scan3A_285, %mul3A_945 : i32
      %add3A_947 = arith.constant 15 : i32
      %add3A_948 = arith.addi %mul3A_946, %add3A_947 : i32
      %broadcast_in_dim3A_949 = vector.broadcast %add3A_948 : i32 to vector<16xi32>
      %gather3A_950 = arith.constant 15 : i32
      %gather3A_951 = arith.constant 0 : i32
      %gather3A_952 = arith.constant 0 : i32
      %gather3A_953 = tpu.memref_slice %arg7[%gather3A_950, %gather3A_951, %gather3A_952] : memref<16x32x128xf32, #tpu.memory_space<vmem>> -> memref<1x32x128xf32, #tpu.memory_space<vmem>>
      %gather3A_954 = tpu.memref_squeeze %gather3A_953 : memref<1x32x128xf32, #tpu.memory_space<vmem>> -> memref<32x128xf32, #tpu.memory_space<vmem>>
      %gather3A_955 = tpu.vector_load_idx %gather3A_954[%add3A_5, %broadcast_in_dim3A_944] : memref<32x128xf32, #tpu.memory_space<vmem>>[vector<16xi32>, vector<16xi32>], vector<16xf32>,
      tpu.vector_store_idx %arg8[%add3A_5, %broadcast_in_dim3A_949], %gather3A_955 : memref<32x512xf32, #tpu.memory_space<vmem>>[vector<16xi32>, vector<16xi32>], vector<16xf32>,
      %gather3A_956 = arith.constant 15 : i32
      %gather3A_957 = arith.constant 0 : i32
      %gather3A_958 = arith.constant 0 : i32
      %gather3A_959 = tpu.memref_slice %arg7[%gather3A_956, %gather3A_957, %gather3A_958] : memref<16x32x128xf32, #tpu.memory_space<vmem>> -> memref<1x32x128xf32, #tpu.memory_space<vmem>>
      %gather3A_960 = tpu.memref_squeeze %gather3A_959 : memref<1x32x128xf32, #tpu.memory_space<vmem>> -> memref<32x128xf32, #tpu.memory_space<vmem>>
      %gather3A_961 = tpu.vector_load_idx %gather3A_960[%add3A_9, %broadcast_in_dim3A_944] : memref<32x128xf32, #tpu.memory_space<vmem>>[vector<16xi32>, vector<16xi32>], vector<16xf32>,
      tpu.vector_store_idx %arg8[%add3A_9, %broadcast_in_dim3A_949], %gather3A_961 : memref<32x512xf32, #tpu.memory_space<vmem>>[vector<16xi32>, vector<16xi32>], vector<16xf32>,
      %add3A_962 = arith.constant 1 : i32
      %add3A_963 = arith.addi %scan3A_285, %add3A_962 : i32
      %lt3A_964 = arith.constant 32 : i32
      %lt3A_965 = arith.cmpi slt, %add3A_963, %lt3A_964 : i32
      %convert_element_type3A_966 = arith.extui %lt3A_965 : i1 to i32
      %cond3A_967 = arith.constant 0 : i32
      %cond3A_968 = arith.cmpi ne, %convert_element_type3A_966, %cond3A_967 : i32
      scf.if %cond3A_968 {
        %slice3A_969 = vector.extract_strided_slice %and3A_301 {offsets = [15], sizes = [1], strides = [1]} : vector<16xi32> to vector<1xi32>
        %squeeze3A_970 = vector.extract %slice3A_969[0] : i32 from vector<1xi32>
        %multiple_of3A_971 = tpu.assume_multiple %squeeze3A_970, 128 : i32
        %dma_start3A_972 = arith.constant 15 : i32
        %dma_start3A_973 = arith.constant 0 : i32
        %dma_start3A_974 = arith.constant 0 : i32
        %dma_start3A_975 = tpu.memref_slice %arg7[%dma_start3A_972, %dma_start3A_973, %dma_start3A_974] : memref<16x32x128xf32, #tpu.memory_space<vmem>> -> memref<1x32x128xf32, #tpu.memory_space<vmem>>
        %dma_start3A_976 = tpu.memref_squeeze %dma_start3A_975 : memref<1x32x128xf32, #tpu.memory_space<vmem>> -> memref<32x128xf32, #tpu.memory_space<vmem>>
        %dma_start3A_977 = arith.constant 0 : i32
        %dma_start3A_978 = tpu.memref_slice %arg2[%dma_start3A_977, %multiple_of3A_971] : memref<32x1000000xf32, #tpu.memory_space<hbm>> -> memref<32x128xf32, #tpu.memory_space<hbm>>
        %dma_start3A_979 = arith.constant 0 : i32
        %dma_start3A_980 = arith.constant 0 : i32
        %dma_start3A_981 = tpu.memref_slice %arg7[%dma_start3A_972, %dma_start3A_979, %dma_start3A_980] : memref<16x32x128xf32, #tpu.memory_space<vmem>> -> memref<1x32x128xf32, #tpu.memory_space<vmem>>
        %dma_start3A_982 = tpu.memref_squeeze %dma_start3A_981 : memref<1x32x128xf32, #tpu.memory_space<vmem>> -> memref<32x128xf32, #tpu.memory_space<vmem>>
        %dma_start3A_983 = arith.constant 0 : i32
        %dma_start3A_984 = tpu.memref_slice %arg2[%dma_start3A_983, %multiple_of3A_971] : memref<32x1000000xf32, #tpu.memory_space<hbm>> -> memref<32x128xf32, #tpu.memory_space<hbm>>
        tpu.enqueue_dma source(%dma_start3A_984 : memref<32x128xf32, #tpu.memory_space<hbm>>) target(%dma_start3A_982 : memref<32x128xf32, #tpu.memory_space<vmem>>) target_semaphore(%arg24 : memref<!tpu.dma_semaphore, #tpu.memory_space<semaphore_mem>>)
      } else {
      }
    }
    %scan3A_269 = arith.constant 32 : i32
    %dma_start3A_270 = arith.constant 0 : i32
    %dma_start3A_271 = tpu.memref_slice %arg4[%dma_start3A_270, %mul3A_2] : memref<32x16384xf32, #tpu.memory_space<hbm>> -> memref<32x512xf32, #tpu.memory_space<hbm>>
    %dma_start3A_272 = arith.constant 0 : i32
    %dma_start3A_273 = tpu.memref_slice %arg4[%dma_start3A_272, %mul3A_2] : memref<32x16384xf32, #tpu.memory_space<hbm>> -> memref<32x512xf32, #tpu.memory_space<hbm>>
    tpu.enqueue_dma source(%arg8 : memref<32x512xf32, #tpu.memory_space<vmem>>) target(%dma_start3A_273 : memref<32x512xf32, #tpu.memory_space<hbm>>) target_semaphore(%arg25 : memref<!tpu.dma_semaphore, #tpu.memory_space<semaphore_mem>>)
    %dma_start3A_274 = arith.constant 0 : i32
    %dma_start3A_275 = tpu.memref_slice %arg5[%dma_start3A_274, %mul3A_2] : memref<32x16384xf32, #tpu.memory_space<hbm>> -> memref<32x512xf32, #tpu.memory_space<hbm>>
    %dma_start3A_276 = arith.constant 0 : i32
    %dma_start3A_277 = tpu.memref_slice %arg5[%dma_start3A_276, %mul3A_2] : memref<32x16384xf32, #tpu.memory_space<hbm>> -> memref<32x512xf32, #tpu.memory_space<hbm>>
    tpu.enqueue_dma source(%arg8 : memref<32x512xf32, #tpu.memory_space<vmem>>) target(%dma_start3A_277 : memref<32x512xf32, #tpu.memory_space<hbm>>) target_semaphore(%arg25 : memref<!tpu.dma_semaphore, #tpu.memory_space<semaphore_mem>>)
    %dma_wait3A = arith.constant 0 : i32
    %dma_wait3A_278 = tpu.memref_slice %arg4[%dma_wait3A, %mul3A_2] : memref<32x16384xf32, #tpu.memory_space<hbm>> -> memref<32x512xf32, #tpu.memory_space<hbm>>
    %dma_wait3A_279 = arith.constant 0 : i32
    %dma_wait3A_280 = tpu.memref_slice %arg4[%dma_wait3A_279, %mul3A_2] : memref<32x16384xf32, #tpu.memory_space<hbm>> -> memref<32x512xf32, #tpu.memory_space<hbm>>
    tpu.wait_dma2 semaphore(%arg25 : memref<!tpu.dma_semaphore, #tpu.memory_space<semaphore_mem>>) src(%arg8 : memref<32x512xf32, #tpu.memory_space<vmem>>) dst(%dma_wait3A_280 : memref<32x512xf32, #tpu.memory_space<hbm>>)
    %dma_wait3A_281 = arith.constant 0 : i32
    %dma_wait3A_282 = tpu.memref_slice %arg5[%dma_wait3A_281, %mul3A_2] : memref<32x16384xf32, #tpu.memory_space<hbm>> -> memref<32x512xf32, #tpu.memory_space<hbm>>
    %dma_wait3A_283 = arith.constant 0 : i32
    %dma_wait3A_284 = tpu.memref_slice %arg5[%dma_wait3A_283, %mul3A_2] : memref<32x16384xf32, #tpu.memory_space<hbm>> -> memref<32x512xf32, #tpu.memory_space<hbm>>
    tpu.wait_dma2 semaphore(%arg25 : memref<!tpu.dma_semaphore, #tpu.memory_space<semaphore_mem>>) src(%arg8 : memref<32x512xf32, #tpu.memory_space<vmem>>) dst(%dma_wait3A_284 : memref<32x512xf32, #tpu.memory_space<hbm>>)
    return
  }
}

</mosaic_0001>

<sc_bundles>
// kernel: kernel.3.cloned.1.call-start
scs
__scs_entry_jumppad:
0x0: {  	(pc) =	sbr.rel $0x88, $3  }
0x1: {  	(tag) =	ssettag $0x0;
	lr =	simm.s32 $0x1  }
0x2: {  	[smem:$0x3F9F] =	sst lr;
	_ =	strace $0xD0000000  }
0x3: {  	_ = 	snop  }
0x4: {  	_ = 	snop  }
0x5: {  	_ = 	snop  }
0x6: {  	_ = 	snop  }
0x7: {  	_ = 	snop  }
__scs_overlays_trampoline_lowered:
0x8: {  	[smem:$0x3FAE] =	sst s0  }
0x9: {  	[smem:$0x3FAF] =	sst s1  }
0xa: {  	[smem:$0x3FB0] =	sst s2  }
0xb: {  	[smem:$0x3FB1] =	sst s3  }
0xc: {  	[smem:$0x3FB2] =	sst s4  }
0xd: {  	[smem:$0x3FB3] =	sst s5  }
0xe: {  	[smem:$0x3FB4] =	sst s6  }
0xf: {  	[smem:$0x3FB5] =	sst s7  }
0x10: {  	[smem:$0x3FB6] =	sst s8  }
0x11: {  	[smem:$0x3FB7] =	sst s9;
	s0 =	simm.s32 @!p0 $0x0  }
0x12: {  	s1 =	sld [smem:$0x3F9D];
	s0 =	simm.s32 @p0 $0x1  }
0x13: {  	[smem:$0x3FB8] =	sst s0;
	s0 =	simm.s32 @!p1 $0x0  }
0x14: {  	s2 =	sld [smem:$0x3F9C];
	s0 =	simm.s32 @p1 $0x1  }
0x15: {  	[smem:$0x3FB9] =	sst s0;
	s0 =	simm.s32 @!p2 $0x0  }
0x16: {  	s3 =	sld [smem:$0x3FDB];
	s0 =	simm.s32 @p2 $0x1  }
0x17: {  	s4 =	simm.s32 $0x1BF5;
	[smem:$0x3FBB] =	sst s0  }
0x18: {  	s0 =	sld [smem:$0x3F9E];
	_ =	swait.ge [sflag:s4], $0x0  }
0x19: {  	s7 =	sld [smem:$0x3F9F]  }
0x1a: {  	s8 =	sadd.s32 $0xFFFFE003, lr  }
0x1b: {  	s9 =	sadd.s32 $0xFFFFFEF7, lr;
	s5 =	simm.s32 $0xFFFFFFFF;
	p2 =	slt.u32 s8, $0xFFFFF086  }
0x1c: {  	p1 =	slt.u32 s9, $0xF7A;
	s5 =	simm.s32 @!p2 $0x0  }
0x1d: {  	s5 =	simm.s32 @p1 $0x1;
	p0 =	seq.s32 s7, s2  }
0x1e: {  	s7 =	smul.u32 @!p0 $0xF7A, s2;
	p2 =	seq.s32 @!p0 s5, $0x0  }
0x1f: {  	s9 =	smul.u32 $0xF7A, s1;
	s8 =	simm.s32 @!p0 $0x1BF5;
	p2 =	por !p2, p0  }
0x20: {  	[sflag:s8] =	ssyncset.s32 @!p0 $0xFFFFF086;
	s6 =	sadd.s32 @!p0 s3, s7;
	s7 =	simm.s32 @!p0 $0x108  }
0x21: {  	s3 =	sadd.s32 s3, s9;
	s6 =	sadd.s32 @!p0 $0x88, s6;
	s7 =	simm.s32 @p2 $0x1082  }
0x22: {  	[simem:s7], [sflag:s8] =	dma.local @!p0 [hbm:s6], $0xF7A  }
0x23: {  	s9 =	sor.u32 $0xD0000000, s2;
	s6 =	simm.s32 $0x108;
	_ =	swait.ge @!p0 [sflag:s8], $0x0  }
0x24: {  	s3 =	sadd.s32 $0x88, s3;
	s6 =	simm.s32 @!p1 $0x1082;
	[sflag:s4] =	ssyncset.s32 $0xFFFFF086  }
0x25: {  	[simem:s6], [sflag:s4] =	dma.local [hbm:s3], $0xF7A  }
0x26: {  	[smem:$0x3F9F] =	sst s1;
	(tag) =	ssettag s2;
	_ =	strace s9  }
0x27: {  	s1 =	sld [smem:$0x3FAF]  }
0x28: {  	s2 =	sld [smem:$0x3FB0]  }
0x29: {  	s4 =	sld [smem:$0x3FB2]  }
0x2a: {  	p0 =	seq.s32 s5, $0x0;
	s5 =	sld [smem:$0x3FB3]  }
0x2b: {  	s6 =	sld [smem:$0x3FB4]  }
0x2c: {  	s7 =	sld [smem:$0x3FB5]  }
0x2d: {  	s3 =	simm.s32 $0x108;
	s8 =	sld [smem:$0x3FB6]  }
0x2e: {  	s3 =	simm.s32 @!p0 $0x1082;
	s9 =	sld [smem:$0x3FB7]  }
0x2f: {  	lr =	sadd.s32 s0, s3;
	s0 =	sld [smem:$0x3FAE]  }
0x30: {  	s3 =	sld [smem:$0x3FB1]  }
0x31: {  	[smem:$0x3FBA] =	sst s10  }
0x32: {  	s10 =	sld [smem:$0x3FB8];
	_ =	sdelay $0x3  }
0x33: {  	p0 =	seq.s32 s10, $0x1;
	s10 =	sld [smem:$0x3FBA];
	_ =	sdelay $0x3  }
0x34: {  	[smem:$0x3FBA] =	sst s10  }
0x35: {  	s10 =	sld [smem:$0x3FB9];
	_ =	sdelay $0x3  }
0x36: {  	p1 =	seq.s32 s10, $0x1;
	s10 =	sld [smem:$0x3FBA];
	_ =	sdelay $0x3  }
0x37: {  	[smem:$0x3FBA] =	sst s10  }
0x38: {  	s10 =	sld [smem:$0x3FBB]  }
0x39: {  	_ = 	snop;
	(pc) =	sbr.ind lr, $3  }
0x3a: {  	_ = 	snop  }
0x3b: {  	_ = 	snop  }
0x3c: {  	p2 =	seq.s32 s10, $0x1;
	s10 =	sld [smem:$0x3FBA]  }
0x3d: {  	_ =	shalt  }
0x3e: {  	_ =	shalt  }
0x3f: {  	_ =	shalt  }
0x40: {  	_ =	shalt  }
0x41: {  	_ =	shalt  }
0x42: {  	_ =	shalt  }
0x43: {  	_ =	shalt  }
0x44: {  	_ =	shalt  }
0x45: {  	_ =	shalt  }
0x46: {  	_ =	shalt  }
0x47: {  	_ =	shalt  }
0x48: {  	_ =	shalt  }
0x49: {  	_ =	shalt  }
0x4a: {  	_ =	shalt  }
0x4b: {  	_ =	shalt  }
0x4c: {  	_ =	shalt  }
0x4d: {  	_ =	shalt  }
0x4e: {  	_ =	shalt  }
0x4f: {  	_ =	shalt  }
0x50: {  	_ =	shalt  }
0x51: {  	_ =	shalt  }
0x52: {  	_ =	shalt  }
0x53: {  	_ =	shalt  }
0x54: {  	_ =	shalt  }
0x55: {  	_ =	shalt  }
0x56: {  	_ =	shalt  }
0x57: {  	_ =	shalt  }
0x58: {  	_ =	shalt  }
0x59: {  	_ =	shalt  }
0x5a: {  	_ =	shalt  }
0x5b: {  	_ =	shalt  }
0x5c: {  	_ =	shalt  }
0x5d: {  	_ =	shalt  }
0x5e: {  	_ =	shalt  }
0x5f: {  	_ =	shalt  }
0x60: {  	_ =	shalt  }
0x61: {  	_ =	shalt  }
0x62: {  	_ =	shalt  }
0x63: {  	_ =	shalt  }
0x64: {  	_ =	shalt  }
0x65: {  	_ =	shalt  }
0x66: {  	_ =	shalt  }
0x67: {  	_ =	shalt  }
0x68: {  	_ =	shalt  }
0x69: {  	_ =	shalt  }
0x6a: {  	_ =	shalt  }
0x6b: {  	_ =	shalt  }
0x6c: {  	_ =	shalt  }
0x6d: {  	_ =	shalt  }
0x6e: {  	_ =	shalt  }
0x6f: {  	_ =	shalt  }
0x70: {  	_ =	shalt  }
0x71: {  	_ =	shalt  }
0x72: {  	_ =	shalt  }
0x73: {  	_ =	shalt  }
0x74: {  	_ =	shalt  }
0x75: {  	_ =	shalt  }
0x76: {  	_ =	shalt  }
0x77: {  	_ =	shalt  }
0x78: {  	_ =	shalt  }
0x79: {  	_ =	shalt  }
0x7a: {  	_ =	shalt  }
0x7b: {  	_ =	shalt  }
0x7c: {  	_ =	shalt  }
0x7d: {  	_ =	shalt  }
0x7e: {  	_ =	shalt  }
0x7f: {  	_ =	shalt  }
0x80: {  	_ =	shalt  }
0x81: {  	_ =	shalt  }
0x82: {  	_ =	shalt  }
0x83: {  	_ =	shalt  }
0x84: {  	_ =	shalt  }
0x85: {  	_ =	shalt  }
0x86: {  	_ =	shalt  }
0x87: {  	_ =	shalt  }
.Lfunc_end0:
.L_simem_size_0:
called_computation_lowered:
.L_overlay_start_0:
0x88: {  	s2 =	sld [smem:$0x3FD9]  }
0x89: {  	s3 =	sld [smem:$0x3FFE];
	_ =	sdelay $0x1  }
0x8a: {  	s1 =	srdreg.scid  }
0x8b: {  	s0 =	sand.u32 $0x1, s1  }
0x8c: {  	s15 =	sshll.u32 s0, $0xA;
	s2 =	sadd.s32 s3, s2  }
0x8d: {  	s2 =	sadd.s32 s2, s15  }
0x8e: {  	[smem:$0x3FC6] =	sst s2  }
0x8f: {  	_ = 	snop  }
0x90: {  	s2 =	sld [smem:$0x3FD0];
	_ =	sdelay $0x1  }
0x91: {  	s16 =	sld [smem:$0x3FC9]  }
0x92: {  	s5 =	simm.s32 $0xA;
	s6 =	simm.s32 $0x10;
	s4 =	sld [smem:$0x3FC8]  }
0x93: {  	[smem:s6], [sflag:s5] =	dma.local [hbm:s2], $0x1  }
0x94: {  	_ =	swait.eq [sflag:s5], $0x1  }
0x95: {  	[sflag:s5] =	ssyncset.done $0x0  }
0x96: {  	s17 =	sld [smem:$0x10];
	[sflag:s5] =	ssyncadd.s32 $0xFFFFFFFF  }
0x97: {  	s18 =	sld [smem:$0x11];
	(tm) =	ssettm $0x1  }
0x98: {  	s19 =	sld [smem:$0x3FFB];
	_ =	sdelay $0x3  }
0x99: {  	_ =	strace s19  }
0x9a: {  	s6 =	sld [smem:$0x3FFC];
	_ =	sdelay $0x3  }
0x9b: {  	_ =	strace s6  }
0x9c: {  	s6 =	sld [smem:$0x3FFD];
	_ =	sdelay $0x3  }
0x9d: {  	_ =	strace s6  }
0x9e: {  	_ =	strace $0x8FFFFFFF  }
0x9f: {  	s20 =	sld [smem:$0x3FDB];
	_ =	sdelay $0x1  }
0xa0: {  	s7 =	simm.s32 $_scs_section_size  }
0xa1: {  	s8 =	simm.s32 $_size__tile_overlayer_lowered;
	s9 =	simm.s32 $_tile_overlayer_lowered  }
0xa2: {  	s23 =	simm.s32 $0x1BFF;
	s22 =	sshll.u32 s9, $0x1;
	s6 =	sadd.s32 s7, s20  }
0xa3: {  	s10 =	simm.s32 $0x0;
	s21 =	sshll.u32 s8, $0x1;
	s8 =	sadd.s32 s22, s6  }
0xa4: {  	[timem:s10], [sflag:s23] =	dma.local [hbm:s8], s21  }
0xa5: {  	_ =	swait.ge [sflag:s23], s21  }
0xa6: {  	s7 =	ssub.s32 $0x0, s21;
	[sflag:s23] =	ssyncset.done $0x0  }
0xa7: {  	[sflag:s23] =	ssyncadd.s32 s7;
	_ =	sdelay $0x1  }
0xa8: {  	s24 =	simm.s32 $0x1B8B  }
0xa9: {  	_ =	swait.ge [sflag:s24], $0x1  }
0xaa: {  	[sflag:s24] =	ssyncset.done $0x0  }
0xab: {  	s25 =	simm.s32 $0x1B8E;
	[sflag:s24] =	ssyncadd.s32 $0xFFFFFFFF  }
0xac: {  	s26 =	simm.s32 $execute0_lowered;
	[smem:$0x3FD2] =	sst s25  }
0xad: {  	s7 =	sshll.u32 s26, $0x1;
	_ =	strace $0x80000046;
	[dreg:$0x1] =	wrdreg $0xFFFFFFFF  }
0xae: {  	s28 =	simm.s32 $_size_execute0_lowered;
	s6 =	sadd.s32 s6, s7;
	[dreg:$0x0] =	wrdreg $0x0  }
0xaf: {  	s7 =	sshll.u32 s28, $0x1;
	[dreg:$0x2] =	wrdreg s6  }
0xb0: {  	[dreg:$0x3] =	wrdreg s7  }
0xb1: {  	[dreg:$0x4] =	wrdreg $0xC0  }
0xb2: {  	_ =	task [dreg:s10], $0x5FFFF  }
0xb3: {  	[dreg:$0x1] =	wrdreg $0xFFFFFFFF  }
0xb4: {  	[dreg:$0x0] =	wrdreg $0x60  }
0xb5: {  	[dreg:$0x2] =	wrdreg s4  }
0xb6: {  	[dreg:$0x3] =	wrdreg s16  }
0xb7: {  	[dreg:$0x4] =	wrdreg s17  }
0xb8: {  	[dreg:$0x5] =	wrdreg s18  }
0xb9: {  	[dreg:$0x6] =	wrdreg $0x9  }
0xba: {  	_ =	task.clear_ibuf [dreg:s10], $0x7FFFF;
	_ =	strace $0x90000046  }
0xbb: {  	s29 =	simm.s32 $0x9;
	_ =	strace $0x80000048  }
0xbc: {  	_ =	swait.ge [sflag:s29], $0x1  }
0xbd: {  	[sflag:s29] =	ssyncadd.s32 $0xFFFFFFFF  }
0xbe: {  	_ =	strace $0x90000048  }
0xbf: {  	_ =	sfence  }
0xc0: {  	s30 =	sld [smem:$0x0];
	_ =	sdelay $0x2  }
0xc1: {  	s31 =	sshll.u32 s1, $0xD;
	s1 =	sshrl.u32 s1, $0x2  }
0xc2: {  	s3 =	sand.u32 $0x4000, s31;
	s1 =	sadd.s32 s1, s30  }
0xc3: {  	s0 =	sor.u32 s3, s0;
	s1 =	sshll.u32 s1, $0x11  }
0xc4: {  	s0 =	sor.u32 s1, s0  }
0xc5: {  	s0 =	sadd.s32 $0x8F2B, s0  }
0xc6: {  	[sflag:s0] =	ssyncadd.remote.s32 $0x1  }
0xc7: {  	_ =	sfence.sel $0xFFFF  }
0xc8: {  	[dreg:$0x0] =	wrdreg $0xFFFFFFFF;
	(pc) =	sbr.abs _section_cstart, $3  }
0xc9: {  	[dreg:$0x1] =	wrdreg $0xFFFFFFFF  }
0xca: {  	_ =	task.clear_ibuf [dreg:s10], $0x2FFFF;
	_ =	strace $0x9FFFFFFF  }
0xcb: {  	(tm) =	ssettm $0x7FFFFFFF  }
tec
execute0_lowered:
.L_overlay_start_1:
0x0: {  	(tag) =	ssettag $0x1  }
0x1: {  	s1 =	rddreg [dreg:$0x0]  }
0x2: {  	s0 =	rddreg [dreg:$0x1]  }
0x3: {  	s2 =	rddreg [dreg:$0x2]  }
0x4: {  	s3 =	rddreg [dreg:$0x3];
	s4 =	srdreg.scid;
	v0 =	vlaneseq.u32;
	v1 =	vimm.s32 $0x1380  }
0x5: {  	s5 =	stileid.u32;
	s7 =	simm.s32 $0x0;
	vm0 =	vcmask $0x300;
	v2 =	vimm.s32 $0x3380;
	vm1 =	vcmask $0x704;
	s17 =	simm.s32 $0x280  }
0x6: {  	vm15 =	vcmask $0xB08;
	s18 =	simm.s32 $0x1280;
	s19 =	simm.s32 $0x2280;
	s20 =	simm.s32 $0x3280;
	v1 =	vsel vm0, $0x0, v1;
	v2 =	vsel vm0, $0x2000, v2  }
0x7: {  	vm4 =	vcmask $0xF0C;
	s21 =	simm.s32 $0x4280;
	s28 =	simm.s32 $0x1;
	s29 =	simm.s32 $0x10280;
	v1 =	vsel vm1, $0x80, v1;
	v2 =	vsel vm1, $0x2080, v2  }
0x8: {  	vm5 =	vcmask $0x1310;
	s30 =	simm.s32 $0x2;
	s31 =	simm.s32 $0x3;
	s9 =	simm.s32 $0xA;
	v1 =	vsel vm15, $0x100, v1;
	v2 =	vsel vm15, $0x2100, v2  }
0x9: {  	vm6 =	vcmask $0x1714;
	s8 =	simm.s32 $0xC;
	s10 =	simm.s32 $0xD;
	s11 =	simm.s32 $0xE;
	v1 =	vsel vm4, $0x180, v1;
	v2 =	vsel vm4, $0x2180, v2  }
0xa: {  	vm7 =	vcmask $0x1B18;
	s12 =	simm.s32 $0xF;
	s13 =	simm.s32 $0x10;
	s16 =	simm.s32 $0x0;
	v1 =	vsel vm5, $0x200, v1;
	v2 =	vsel vm5, $0x2200, v2  }
0xb: {  	vm8 =	vcmask $0x1F1C;
	s4 =	sand.u32 $0x1, s4;
	s5 =	sshll.u32 s5, $0xA;
	[smem:$0x7FF] =	sst s7;
	v1 =	vsel vm6, $0x280, v1;
	v2 =	vsel vm6, $0x2280, v2  }
0xc: {  	vm9 =	vcmask $0x2320;
	s7 =	simm.s32 $0xB;
	s6 =	sshll.u32 s4, $0x9;
	s4 =	ssub.s32 $0x2, s4;
	v1 =	vsel vm7, $0x300, v1;
	v2 =	vsel vm7, $0x2300, v2  }
0xd: {  	vm10 =	vcmask $0x2724;
	_ =	strace $0x80000047;
	s5 =	sor.u32 s6, s5;
	s22 =	sshrl.u32 s4, $0x1;
	v1 =	vsel vm8, $0x380, v1;
	v2 =	vsel vm8, $0x2380, v2  }
0xe: {  	vm11 =	vcmask $0x2B28;
	s6 =	simm.s32 $0x9;
	s23 =	sshrl.u32 s5, $0x3;
	s4 =	ssub.s32 s4, s22;
	v1 =	vsel vm9, $0x1000, v1;
	v2 =	vsel vm9, $0x3000, v2  }
0xf: {  	vm12 =	vcmask $0x2F2C;
	s24 =	sadd.s32 s2, s5;
	s25 =	sadd.s32 s3, s5;
	s22 =	simm.s32 $0x5280;
	v1 =	vsel vm10, $0x1080, v1;
	v2 =	vsel vm10, $0x3080, v2  }
0x10: {  	vm13 =	vcmask $0x3330;
	s2 =	simm.s32 $0x5;
	s3 =	simm.s32 $0x6;
	[dreg:$0x6] =	wrdreg s24;
	v1 =	vsel vm11, $0x1100, v1;
	v2 =	vsel vm11, $0x3100, v2  }
0x11: {  	vm14 =	vcmask $0x3734;
	s5 =	simm.s32 $0x8;
	s0 =	sadd.s32 s0, s23;
	[dreg:$0x7] =	wrdreg s25;
	v1 =	vsel vm12, $0x1180, v1;
	v2 =	vsel vm12, $0x3180, v2  }
0x12: {  	v0 =	vmul.u32 $0x80, v0;
	s26 =	smax.u32 s4, $0x1;
	s23 =	simm.s32 $0x6280;
	s24 =	simm.s32 $0x7280;
	v1 =	vsel vm13, $0x1200, v1;
	v2 =	vsel vm13, $0x3200, v2  }
0x13: {  	vm15 =	vcmask $0x3B38;
	s25 =	simm.s32 $0x8280;
	s4 =	simm.s32 $0x7;
	[dreg:$0x5] =	wrdreg s0;
	v1 =	vsel vm14, $0x1280, v1;
	v3 =	vsel vm14, $0x3280, v2  }
0x14: {  	[dreg:$0x8] =	wrdreg s26;
	s26 =	simm.s32 $0x9280;
	s0 =	simm.s32 $0x4;
	v2 =	vor.u32 $0x800, v0;
	v1 =	vsel vm15, $0x1300, v1;
	v3 =	vsel vm15, $0x3300, v3  }
.LBB2_1:
0x15: {  	[dreg:$0x9] =	wrdreg s16  }
0x16: {  	s14 =	simm.s32 $0x0;
	s15 =	rddreg [dreg:$0x5];
	s16 =	simm.s32 $0x12  }
0x17: {  	[tilespmem:s14], [sflag:$0x12] =	stream.linear.gather [hbm4b:s15+s14], $0x200, $0x38;
	[tilespmem:$0x14280] =	vst v63  }
0x18: {  	_ =	swait.ge [sflag:s16], $0x200  }
0x19: {  	[sflag:s16] =	ssyncset.done $0x0  }
0x1a: {  	[sflag:s16] =	ssyncadd.s32 $0xFFFFFE00  }
0x1b: {  	v4 =	vld [tilespmem:$0x0];
	_ =	sdelay $0x4  }
0x1c: {  	v4 =	vand.u32 $0xFFFFFF80, v4  }
0x1d: {  	v4 =	vadd.s32 s1, v4  }
0x1e: {  	(v2sf) =	vpush v4, $0x0;
	_ =	sdelay $0x1  }
0x1f: {  	(v2sf) =	vpush v4, $0x1;
	_ =	sdelay $0x1  }
0x20: {  	(v2sf) =	vpush v4, $0x2;
	_ =	sdelay $0x1  }
0x21: {  	(v2sf) =	vpush v4, $0x3;
	_ =	sdelay $0x1  }
0x22: {  	(v2sf) =	vpush v4, $0x4;
	_ =	sdelay $0x1  }
0x23: {  	(v2sf) =	vpush v4, $0x5;
	_ =	sdelay $0x1  }
0x24: {  	(v2sf) =	vpush v4, $0x6;
	_ =	sdelay $0x1  }
0x25: {  	(v2sf) =	vpush v4, $0x7  }
0x26: {  	s15 =	simm.s32 $0x400;
	s16 =	simm.s32 $0x7A1400;
	s14 =	spop (v2sf)  }
0x27: {  	(v2sf) =	vpush v4, $0x8;
	[tilespmem:s17], [sflag:$0x1] =	stream.strided.gather [hbm4b:s14+s15], $0x1000, s16, s15, $0x38;
	[tilespmem:$0x14280] =	vst v63  }
0x28: {  	s14 =	spop (v2sf)  }
0x29: {  	(v2sf) =	vpush v4, $0x9;
	[tilespmem:s18], [sflag:$0x2] =	stream.strided.gather [hbm4b:s14+s15], $0x1000, s16, s15, $0x38;
	[tilespmem:$0x14280] =	vst v63  }
0x2a: {  	s18 =	spop (v2sf)  }
0x2b: {  	(v2sf) =	vpush v4, $0xA;
	[tilespmem:s19], [sflag:$0x3] =	stream.strided.gather [hbm4b:s18+s15], $0x1000, s16, s15, $0x38;
	[tilespmem:$0x14280] =	vst v63  }
0x2c: {  	s18 =	spop (v2sf)  }
0x2d: {  	(v2sf) =	vpush v4, $0xB;
	[tilespmem:s20], [sflag:$0x4] =	stream.strided.gather [hbm4b:s18+s15], $0x1000, s16, s15, $0x38;
	[tilespmem:$0x14280] =	vst v63  }
0x2e: {  	s19 =	spop (v2sf)  }
0x2f: {  	(v2sf) =	vpush v4, $0xC;
	[tilespmem:s21], [sflag:$0x5] =	stream.strided.gather [hbm4b:s19+s15], $0x1000, s16, s15, $0x38;
	[tilespmem:$0x14280] =	vst v63  }
0x30: {  	s20 =	spop (v2sf)  }
0x31: {  	(v2sf) =	vpush v4, $0xD;
	[tilespmem:s22], [sflag:$0x6] =	stream.strided.gather [hbm4b:s20+s15], $0x1000, s16, s15, $0x38;
	[tilespmem:$0x14280] =	vst v63  }
0x32: {  	s21 =	spop (v2sf)  }
0x33: {  	(v2sf) =	vpush v4, $0xE;
	[tilespmem:s23], [sflag:$0x7] =	stream.strided.gather [hbm4b:s21+s15], $0x1000, s16, s15, $0x38;
	[tilespmem:$0x14280] =	vst v63  }
0x34: {  	s22 =	spop (v2sf)  }
0x35: {  	(v2sf) =	vpush v4, $0xF;
	[tilespmem:s24], [sflag:$0x8] =	stream.strided.gather [hbm4b:s22+s15], $0x1000, s16, s15, $0x38;
	[tilespmem:$0x14280] =	vst v63  }
0x36: {  	s23 =	spop (v2sf)  }
0x37: {  	[tilespmem:s25], [sflag:$0x9] =	stream.strided.gather [hbm4b:s23+s15], $0x1000, s16, s15, $0x38;
	[tilespmem:$0x14280] =	vst v63  }
0x38: {  	s24 =	spop (v2sf)  }
0x39: {  	[tilespmem:s26], [sflag:$0xA] =	stream.strided.gather [hbm4b:s24+s15], $0x1000, s16, s15, $0x38;
	[tilespmem:$0x14280] =	vst v63  }
0x3a: {  	s25 =	spop (v2sf);
	s26 =	simm.s32 $0xA280  }
0x3b: {  	[tilespmem:s26], [sflag:$0xB] =	stream.strided.gather [hbm4b:s25+s15], $0x1000, s16, s15, $0x38;
	[tilespmem:$0x14280] =	vst v63  }
0x3c: {  	s20 =	simm.s32 $0xB280;
	s19 =	spop (v2sf)  }
0x3d: {  	[tilespmem:s20], [sflag:$0xC] =	stream.strided.gather [hbm4b:s19+s15], $0x1000, s16, s15, $0x38;
	[tilespmem:$0x14280] =	vst v63  }
0x3e: {  	s14 =	simm.s32 $0x10;
	s22 =	simm.s32 $0xC280;
	s21 =	spop (v2sf)  }
0x3f: {  	[tilespmem:s22], [sflag:$0xD] =	stream.strided.gather [hbm4b:s21+s15], $0x1000, s16, s15, $0x38;
	[tilespmem:$0x14280] =	vst v63  }
0x40: {  	s24 =	simm.s32 $0xD280;
	s23 =	spop (v2sf);
	s20 =	simm.s32 $0xE280  }
0x41: {  	[tilespmem:s24], [sflag:$0xE] =	stream.strided.gather [hbm4b:s23+s15], $0x1000, s16, s15, $0x38;
	[tilespmem:$0x14280] =	vst v63  }
0x42: {  	s25 =	spop (v2sf);
	s22 =	simm.s32 $0x8280;
	s21 =	simm.s32 $0x2280  }
0x43: {  	[tilespmem:s20], [sflag:$0xF] =	stream.strided.gather [hbm4b:s25+s15], $0x1000, s16, s15, $0x38;
	[tilespmem:$0x14280] =	vst v63  }
0x44: {  	s26 =	spop (v2sf);
	s24 =	simm.s32 $0xF280;
	s23 =	simm.s32 $0x4280  }
0x45: {  	[tilespmem:s24], [sflag:$0x10] =	stream.strided.gather [hbm4b:s26+s15], $0x1000, s16, s15, $0x38;
	[tilespmem:$0x14280] =	vst v63  }
0x46: {  	s25 =	simm.s32 $0x6280;
	s15 =	simm.s32 $0xF;
	s26 =	simm.s32 $0x9280  }
.LBB2_2:
0x47: {  	v4 =	vld [tilespmem:s14+$0xFFFFFFF0];
	_ =	sdelay $0x1  }
0x48: {  	v6 =	vld [tilespmem:s14+$0x0];
	_ =	sdelay $0x2  }
0x49: {  	v5 =	vand.u32 $0x7F, v4  }
0x4a: {  	v43 =	vbroadcast v5, $0x0  }
0x4b: {  	_ =	swait.ge [sflag:s28], $0x1000;
	p0 =	seq.s32 s15, $0x1FF;
	v4 =	vand.u32 $0xFFFFFF80, v6  }
0x4c: {  	s16 =	sadd.s32 $0xFFFFFFF1, s15;
	(v2sf) =	vpush @!p0 v4, $0x0;
	v7 =	vor.u32 v0, v43  }
0x4d: {  	v8 =	vmov s16  }
0x4e: {  	v9 =	vshll.u32 v8, $0x3  }
0x4f: {  	[sflag:s28] =	ssyncset.done $0x0;
	v8 =	vand.u32 $0x70, v8;
	v9 =	vand.u32 $0xC00, v9  }
0x50: {  	[sflag:s28] =	ssyncadd.s32 $0xFFFFF000;
	v8 =	vor.u32 v8, v9  }
0x51: {  	v9 =	vor.u32 v1, v8;
	v7 =	vld.idx.msk [tilespmem:v7+s17+$0x0], $0xffff  }
0x52: {  	v6 =	vor.u32 v2, v43;
	_ =	sdelay $0x3  }
0x53: {  	[tilespmem:v9+s29+$0x0] =	vst.idx.msk $0xffff, v7  }
0x54: {  	v44 =	vor.u32 v3, v8;
	v6 =	vld.idx.msk [tilespmem:v6+s17+$0x0], $0xffff;
	_ =	sdelay $0x3  }
0x55: {  	s19 =	simm.s32 @!p0 $0x280;
	s16 =	spop @!p0 (v2sf)  }
0x56: {  	s17 =	simm.s32 @!p0 $0x7A1400;
	s18 =	sadd.s32 @!p0 s1, s16;
	s16 =	simm.s32 @!p0 $0x400;
	[tilespmem:v44+s29+$0x0] =	vst.idx.msk $0xffff, v6  }
0x57: {  	v45 =	vbroadcast v5, $0x1;
	[tilespmem:s19], [sflag:$0x1] =	stream.strided.gather @!p0 [hbm4b:s18+s16], $0x1000, s17, s16, $0x38;
	[tilespmem:$0x14280] =	vst v63  }
0x58: {  	_ =	swait.ge [sflag:s30], $0x1000  }
0x59: {  	v46 =	vor.u32 v0, v45;
	s19 =	sadd.s32 $0xFFFFFFF2, s15;
	(v2sf) =	vpush @!p0 v4, $0x1  }
0x5a: {  	v47 =	vmov s19  }
0x5b: {  	v48 =	vshll.u32 v47, $0x3  }
0x5c: {  	[sflag:s30] =	ssyncset.done $0x0;
	v8 =	vand.u32 $0x71, v47;
	v9 =	vand.u32 $0xC00, v48  }
0x5d: {  	s19 =	simm.s32 $0x1280;
	[sflag:s30] =	ssyncadd.s32 $0xFFFFF000;
	v8 =	vor.u32 v8, v9  }
0x5e: {  	v7 =	vld.idx.msk [tilespmem:v46+s19+$0x0], $0xffff;
	v9 =	vor.u32 v1, v8  }
0x5f: {  	v6 =	vor.u32 v2, v45;
	_ =	sdelay $0x3  }
0x60: {  	[tilespmem:v9+s29+$0x0] =	vst.idx.msk $0xffff, v7  }
0x61: {  	v49 =	vor.u32 v3, v8;
	v6 =	vld.idx.msk [tilespmem:v6+s19+$0x0], $0xffff;
	_ =	sdelay $0x3  }
0x62: {  	s18 =	spop @!p0 (v2sf)  }
0x63: {  	s19 =	simm.s32 @!p0 $0x1280;
	[tilespmem:v49+s29+$0x0] =	vst.idx.msk $0xffff, v6;
	s18 =	sadd.s32 @!p0 s1, s18  }
0x64: {  	v50 =	vbroadcast v5, $0x2;
	[tilespmem:s19], [sflag:$0x2] =	stream.strided.gather @!p0 [hbm4b:s18+s16], $0x1000, s17, s16, $0x38;
	[tilespmem:$0x14280] =	vst v63  }
0x65: {  	_ =	swait.ge [sflag:s31], $0x1000  }
0x66: {  	v51 =	vor.u32 v0, v50;
	s19 =	sadd.s32 $0xFFFFFFF3, s15;
	(v2sf) =	vpush @!p0 v4, $0x2  }
0x67: {  	v52 =	vmov s19  }
0x68: {  	v53 =	vshll.u32 v52, $0x3  }
0x69: {  	[sflag:s31] =	ssyncset.done $0x0;
	v8 =	vand.u32 $0x72, v52;
	v9 =	vand.u32 $0xC00, v53  }
0x6a: {  	[sflag:s31] =	ssyncadd.s32 $0xFFFFF000;
	v8 =	vor.u32 v8, v9  }
0x6b: {  	v7 =	vld.idx.msk [tilespmem:v51+s21+$0x0], $0xffff;
	v9 =	vor.u32 v1, v8  }
0x6c: {  	v6 =	vor.u32 v2, v50;
	_ =	sdelay $0x3  }
0x6d: {  	[tilespmem:v9+s29+$0x0] =	vst.idx.msk $0xffff, v7  }
0x6e: {  	v54 =	vor.u32 v3, v8;
	v6 =	vld.idx.msk [tilespmem:v6+s21+$0x0], $0xffff;
	_ =	sdelay $0x3  }
0x6f: {  	s18 =	spop @!p0 (v2sf)  }
0x70: {  	s19 =	simm.s32 @!p0 $0x2280;
	[tilespmem:v54+s29+$0x0] =	vst.idx.msk $0xffff, v6;
	s18 =	sadd.s32 @!p0 s1, s18  }
0x71: {  	v55 =	vbroadcast v5, $0x3;
	[tilespmem:s19], [sflag:$0x3] =	stream.strided.gather @!p0 [hbm4b:s18+s16], $0x1000, s17, s16, $0x38;
	[tilespmem:$0x14280] =	vst v63  }
0x72: {  	_ =	swait.ge [sflag:s0], $0x1000  }
0x73: {  	v56 =	vor.u32 v0, v55;
	s19 =	sadd.s32 $0xFFFFFFF4, s15;
	(v2sf) =	vpush @!p0 v4, $0x3  }
0x74: {  	v57 =	vmov s19  }
0x75: {  	v58 =	vshll.u32 v57, $0x3  }
0x76: {  	[sflag:s0] =	ssyncset.done $0x0;
	v8 =	vand.u32 $0x73, v57;
	v9 =	vand.u32 $0xC00, v58  }
0x77: {  	s19 =	simm.s32 $0x3280;
	[sflag:s0] =	ssyncadd.s32 $0xFFFFF000;
	v8 =	vor.u32 v8, v9  }
0x78: {  	v7 =	vld.idx.msk [tilespmem:v56+s19+$0x0], $0xffff;
	v9 =	vor.u32 v1, v8  }
0x79: {  	v6 =	vor.u32 v2, v55;
	_ =	sdelay $0x3  }
0x7a: {  	[tilespmem:v9+s29+$0x0] =	vst.idx.msk $0xffff, v7  }
0x7b: {  	v59 =	vor.u32 v3, v8;
	v6 =	vld.idx.msk [tilespmem:v6+s19+$0x0], $0xffff;
	_ =	sdelay $0x3  }
0x7c: {  	s18 =	spop @!p0 (v2sf)  }
0x7d: {  	s19 =	simm.s32 @!p0 $0x3280;
	[tilespmem:v59+s29+$0x0] =	vst.idx.msk $0xffff, v6;
	s18 =	sadd.s32 @!p0 s1, s18  }
0x7e: {  	v60 =	vbroadcast v5, $0x4;
	[tilespmem:s19], [sflag:$0x4] =	stream.strided.gather @!p0 [hbm4b:s18+s16], $0x1000, s17, s16, $0x38;
	[tilespmem:$0x14280] =	vst v63  }
0x7f: {  	_ =	swait.ge [sflag:s2], $0x1000  }
0x80: {  	v61 =	vor.u32 v0, v60;
	s19 =	sadd.s32 $0xFFFFFFF5, s15;
	(v2sf) =	vpush @!p0 v4, $0x4  }
0x81: {  	v62 =	vmov s19  }
0x82: {  	v63 =	vshll.u32 v62, $0x3  }
0x83: {  	[sflag:s2] =	ssyncset.done $0x0;
	v8 =	vand.u32 $0x74, v62;
	v9 =	vand.u32 $0xC00, v63  }
0x84: {  	[sflag:s2] =	ssyncadd.s32 $0xFFFFF000;
	v8 =	vor.u32 v8, v9  }
0x85: {  	v7 =	vld.idx.msk [tilespmem:v61+s23+$0x0], $0xffff;
	v9 =	vor.u32 v1, v8  }
0x86: {  	v6 =	vor.u32 v2, v60;
	_ =	sdelay $0x3  }
0x87: {  	[tilespmem:v9+s29+$0x0] =	vst.idx.msk $0xffff, v7  }
0x88: {  	v11 =	vor.u32 v3, v8;
	v6 =	vld.idx.msk [tilespmem:v6+s23+$0x0], $0xffff;
	_ =	sdelay $0x3  }
0x89: {  	s18 =	spop @!p0 (v2sf)  }
0x8a: {  	s19 =	simm.s32 @!p0 $0x4280;
	[tilespmem:v11+s29+$0x0] =	vst.idx.msk $0xffff, v6;
	s18 =	sadd.s32 @!p0 s1, s18  }
0x8b: {  	v12 =	vbroadcast v5, $0x5;
	[tilespmem:s19], [sflag:$0x5] =	stream.strided.gather @!p0 [hbm4b:s18+s16], $0x1000, s17, s16, $0x38;
	[tilespmem:$0x14280] =	vst v63  }
0x8c: {  	_ =	swait.ge [sflag:s3], $0x1000  }
0x8d: {  	v13 =	vor.u32 v0, v12;
	s19 =	sadd.s32 $0xFFFFFFF6, s15;
	(v2sf) =	vpush @!p0 v4, $0x5  }
0x8e: {  	v14 =	vmov s19  }
0x8f: {  	v15 =	vshll.u32 v14, $0x3  }
0x90: {  	[sflag:s3] =	ssyncset.done $0x0;
	v8 =	vand.u32 $0x75, v14;
	v9 =	vand.u32 $0xC00, v15  }
0x91: {  	s19 =	simm.s32 $0x5280;
	[sflag:s3] =	ssyncadd.s32 $0xFFFFF000;
	v8 =	vor.u32 v8, v9  }
0x92: {  	v7 =	vld.idx.msk [tilespmem:v13+s19+$0x0], $0xffff;
	v9 =	vor.u32 v1, v8  }
0x93: {  	v6 =	vor.u32 v2, v12;
	_ =	sdelay $0x3  }
0x94: {  	[tilespmem:v9+s29+$0x0] =	vst.idx.msk $0xffff, v7  }
0x95: {  	v16 =	vor.u32 v3, v8;
	v6 =	vld.idx.msk [tilespmem:v6+s19+$0x0], $0xffff;
	_ =	sdelay $0x3  }
0x96: {  	s18 =	spop @!p0 (v2sf)  }
0x97: {  	s19 =	simm.s32 @!p0 $0x5280;
	[tilespmem:v16+s29+$0x0] =	vst.idx.msk $0xffff, v6;
	s18 =	sadd.s32 @!p0 s1, s18  }
0x98: {  	v17 =	vbroadcast v5, $0x6;
	[tilespmem:s19], [sflag:$0x6] =	stream.strided.gather @!p0 [hbm4b:s18+s16], $0x1000, s17, s16, $0x38;
	[tilespmem:$0x14280] =	vst v63  }
0x99: {  	_ =	swait.ge [sflag:s4], $0x1000  }
0x9a: {  	v18 =	vor.u32 v0, v17;
	s19 =	sadd.s32 $0xFFFFFFF7, s15;
	(v2sf) =	vpush @!p0 v4, $0x6  }
0x9b: {  	v19 =	vmov s19  }
0x9c: {  	v20 =	vshll.u32 v19, $0x3  }
0x9d: {  	[sflag:s4] =	ssyncset.done $0x0;
	v8 =	vand.u32 $0x76, v19;
	v9 =	vand.u32 $0xC00, v20  }
0x9e: {  	[sflag:s4] =	ssyncadd.s32 $0xFFFFF000;
	v8 =	vor.u32 v8, v9  }
0x9f: {  	v7 =	vld.idx.msk [tilespmem:v18+s25+$0x0], $0xffff;
	v9 =	vor.u32 v1, v8  }
0xa0: {  	v6 =	vor.u32 v2, v17;
	_ =	sdelay $0x3  }
0xa1: {  	[tilespmem:v9+s29+$0x0] =	vst.idx.msk $0xffff, v7  }
0xa2: {  	v21 =	vor.u32 v3, v8;
	v6 =	vld.idx.msk [tilespmem:v6+s25+$0x0], $0xffff;
	_ =	sdelay $0x3  }
0xa3: {  	s18 =	spop @!p0 (v2sf)  }
0xa4: {  	s19 =	simm.s32 @!p0 $0x6280;
	[tilespmem:v21+s29+$0x0] =	vst.idx.msk $0xffff, v6;
	s18 =	sadd.s32 @!p0 s1, s18  }
0xa5: {  	v22 =	vbroadcast v5, $0x7;
	[tilespmem:s19], [sflag:$0x7] =	stream.strided.gather @!p0 [hbm4b:s18+s16], $0x1000, s17, s16, $0x38;
	[tilespmem:$0x14280] =	vst v63  }
0xa6: {  	_ =	swait.ge [sflag:s5], $0x1000  }
0xa7: {  	v23 =	vor.u32 v0, v22;
	s19 =	sadd.s32 $0xFFFFFFF8, s15;
	(v2sf) =	vpush @!p0 v4, $0x7  }
0xa8: {  	v24 =	vmov s19  }
0xa9: {  	v25 =	vshll.u32 v24, $0x3  }
0xaa: {  	[sflag:s5] =	ssyncset.done $0x0;
	v8 =	vand.u32 $0x77, v24;
	v9 =	vand.u32 $0xC00, v25  }
0xab: {  	s19 =	simm.s32 $0x7280;
	[sflag:s5] =	ssyncadd.s32 $0xFFFFF000;
	v8 =	vor.u32 v8, v9  }
0xac: {  	v7 =	vld.idx.msk [tilespmem:v23+s19+$0x0], $0xffff;
	v9 =	vor.u32 v1, v8  }
0xad: {  	v6 =	vor.u32 v2, v22;
	_ =	sdelay $0x3  }
0xae: {  	[tilespmem:v9+s29+$0x0] =	vst.idx.msk $0xffff, v7  }
0xaf: {  	v26 =	vor.u32 v3, v8;
	v6 =	vld.idx.msk [tilespmem:v6+s19+$0x0], $0xffff;
	_ =	sdelay $0x3  }
0xb0: {  	s18 =	spop @!p0 (v2sf)  }
0xb1: {  	s19 =	simm.s32 @!p0 $0x7280;
	[tilespmem:v26+s29+$0x0] =	vst.idx.msk $0xffff, v6;
	s18 =	sadd.s32 @!p0 s1, s18  }
0xb2: {  	v27 =	vbroadcast v5, $0x8;
	[tilespmem:s19], [sflag:$0x8] =	stream.strided.gather @!p0 [hbm4b:s18+s16], $0x1000, s17, s16, $0x38;
	[tilespmem:$0x14280] =	vst v63  }
0xb3: {  	_ =	swait.ge [sflag:s6], $0x1000  }
0xb4: {  	v28 =	vor.u32 v0, v27;
	s19 =	sadd.s32 $0xFFFFFFF9, s15;
	(v2sf) =	vpush @!p0 v4, $0x8  }
0xb5: {  	v29 =	vmov s19  }
0xb6: {  	v30 =	vshll.u32 v29, $0x3  }
0xb7: {  	[sflag:s6] =	ssyncset.done $0x0;
	v8 =	vand.u32 $0x78, v29;
	v9 =	vand.u32 $0xC00, v30  }
0xb8: {  	[sflag:s6] =	ssyncadd.s32 $0xFFFFF000;
	v8 =	vor.u32 v8, v9  }
0xb9: {  	v7 =	vld.idx.msk [tilespmem:v28+s22+$0x0], $0xffff;
	v9 =	vor.u32 v1, v8  }
0xba: {  	v6 =	vor.u32 v2, v27;
	_ =	sdelay $0x3  }
0xbb: {  	[tilespmem:v9+s29+$0x0] =	vst.idx.msk $0xffff, v7  }
0xbc: {  	v31 =	vor.u32 v3, v8;
	v6 =	vld.idx.msk [tilespmem:v6+s22+$0x0], $0xffff;
	_ =	sdelay $0x3  }
0xbd: {  	s18 =	spop @!p0 (v2sf)  }
0xbe: {  	s19 =	simm.s32 @!p0 $0x8280;
	[tilespmem:v31+s29+$0x0] =	vst.idx.msk $0xffff, v6;
	s18 =	sadd.s32 @!p0 s1, s18  }
0xbf: {  	v32 =	vbroadcast v5, $0x9;
	[tilespmem:s19], [sflag:$0x9] =	stream.strided.gather @!p0 [hbm4b:s18+s16], $0x1000, s17, s16, $0x38;
	[tilespmem:$0x14280] =	vst v63  }
0xc0: {  	_ =	swait.ge [sflag:s9], $0x1000  }
0xc1: {  	v33 =	vor.u32 v0, v32;
	s19 =	sadd.s32 $0xFFFFFFFA, s15;
	(v2sf) =	vpush @!p0 v4, $0x9  }
0xc2: {  	v34 =	vmov s19  }
0xc3: {  	v35 =	vshll.u32 v34, $0x3  }
0xc4: {  	[sflag:s9] =	ssyncset.done $0x0;
	v8 =	vand.u32 $0x79, v34;
	v9 =	vand.u32 $0xC00, v35  }
0xc5: {  	[sflag:s9] =	ssyncadd.s32 $0xFFFFF000;
	v8 =	vor.u32 v8, v9  }
0xc6: {  	v7 =	vld.idx.msk [tilespmem:v33+s26+$0x0], $0xffff;
	v9 =	vor.u32 v1, v8  }
0xc7: {  	v6 =	vor.u32 v2, v32;
	_ =	sdelay $0x3  }
0xc8: {  	[tilespmem:v9+s29+$0x0] =	vst.idx.msk $0xffff, v7  }
0xc9: {  	v36 =	vor.u32 v3, v8;
	v6 =	vld.idx.msk [tilespmem:v6+s26+$0x0], $0xffff;
	_ =	sdelay $0x3  }
0xca: {  	s18 =	spop @!p0 (v2sf)  }
0xcb: {  	s19 =	simm.s32 @!p0 $0x9280;
	[tilespmem:v36+s29+$0x0] =	vst.idx.msk $0xffff, v6;
	s18 =	sadd.s32 @!p0 s1, s18  }
0xcc: {  	v37 =	vbroadcast v5, $0xA;
	[tilespmem:s19], [sflag:$0xA] =	stream.strided.gather @!p0 [hbm4b:s18+s16], $0x1000, s17, s16, $0x38;
	[tilespmem:$0x14280] =	vst v63  }
0xcd: {  	_ =	swait.ge [sflag:s7], $0x1000  }
0xce: {  	v38 =	vor.u32 v0, v37;
	s19 =	sadd.s32 $0xFFFFFFFB, s15;
	(v2sf) =	vpush @!p0 v4, $0xA  }
0xcf: {  	v39 =	vmov s19  }
0xd0: {  	v40 =	vshll.u32 v39, $0x3  }
0xd1: {  	[sflag:s7] =	ssyncset.done $0x0;
	v8 =	vand.u32 $0x7A, v39;
	v9 =	vand.u32 $0xC00, v40  }
0xd2: {  	s19 =	simm.s32 $0xA280;
	[sflag:s7] =	ssyncadd.s32 $0xFFFFF000;
	v8 =	vor.u32 v8, v9  }
0xd3: {  	v7 =	vld.idx.msk [tilespmem:v38+s19+$0x0], $0xffff;
	v9 =	vor.u32 v1, v8  }
0xd4: {  	v6 =	vor.u32 v2, v37;
	_ =	sdelay $0x3  }
0xd5: {  	[tilespmem:v9+s29+$0x0] =	vst.idx.msk $0xffff, v7  }
0xd6: {  	v41 =	vor.u32 v3, v8;
	v6 =	vld.idx.msk [tilespmem:v6+s19+$0x0], $0xffff;
	_ =	sdelay $0x3  }
0xd7: {  	s18 =	spop @!p0 (v2sf)  }
0xd8: {  	s19 =	simm.s32 @!p0 $0xA280;
	[tilespmem:v41+s29+$0x0] =	vst.idx.msk $0xffff, v6;
	s18 =	sadd.s32 @!p0 s1, s18  }
0xd9: {  	v42 =	vbroadcast v5, $0xB;
	[tilespmem:s19], [sflag:$0xB] =	stream.strided.gather @!p0 [hbm4b:s18+s16], $0x1000, s17, s16, $0x38;
	[tilespmem:$0x14280] =	vst v63  }
0xda: {  	_ =	swait.ge [sflag:s8], $0x1000  }
0xdb: {  	v43 =	vor.u32 v0, v42;
	s19 =	sadd.s32 $0xFFFFFFFC, s15;
	(v2sf) =	vpush @!p0 v4, $0xB  }
0xdc: {  	v44 =	vmov s19  }
0xdd: {  	v45 =	vshll.u32 v44, $0x3  }
0xde: {  	[sflag:s8] =	ssyncset.done $0x0;
	v8 =	vand.u32 $0x7B, v44;
	v9 =	vand.u32 $0xC00, v45  }
0xdf: {  	s19 =	simm.s32 $0xB280;
	[sflag:s8] =	ssyncadd.s32 $0xFFFFF000;
	v8 =	vor.u32 v8, v9  }
0xe0: {  	v7 =	vld.idx.msk [tilespmem:v43+s19+$0x0], $0xffff;
	v9 =	vor.u32 v1, v8  }
0xe1: {  	v6 =	vor.u32 v2, v42;
	_ =	sdelay $0x3  }
0xe2: {  	[tilespmem:v9+s29+$0x0] =	vst.idx.msk $0xffff, v7  }
0xe3: {  	v46 =	vor.u32 v3, v8;
	v6 =	vld.idx.msk [tilespmem:v6+s19+$0x0], $0xffff;
	_ =	sdelay $0x3  }
0xe4: {  	s18 =	spop @!p0 (v2sf)  }
0xe5: {  	s19 =	simm.s32 @!p0 $0xB280;
	[tilespmem:v46+s29+$0x0] =	vst.idx.msk $0xffff, v6;
	s18 =	sadd.s32 @!p0 s1, s18  }
0xe6: {  	v47 =	vbroadcast v5, $0xC;
	[tilespmem:s19], [sflag:$0xC] =	stream.strided.gather @!p0 [hbm4b:s18+s16], $0x1000, s17, s16, $0x38;
	[tilespmem:$0x14280] =	vst v63  }
0xe7: {  	_ =	swait.ge [sflag:s10], $0x1000  }
0xe8: {  	v48 =	vor.u32 v0, v47;
	s19 =	sadd.s32 $0xFFFFFFFD, s15;
	(v2sf) =	vpush @!p0 v4, $0xC  }
0xe9: {  	v49 =	vmov s19  }
0xea: {  	v50 =	vshll.u32 v49, $0x3  }
0xeb: {  	[sflag:s10] =	ssyncset.done $0x0;
	v8 =	vand.u32 $0x7C, v49;
	v9 =	vand.u32 $0xC00, v50  }
0xec: {  	s19 =	simm.s32 $0xC280;
	[sflag:s10] =	ssyncadd.s32 $0xFFFFF000;
	v8 =	vor.u32 v8, v9  }
0xed: {  	v7 =	vld.idx.msk [tilespmem:v48+s19+$0x0], $0xffff;
	v9 =	vor.u32 v1, v8  }
0xee: {  	v6 =	vor.u32 v2, v47;
	_ =	sdelay $0x3  }
0xef: {  	[tilespmem:v9+s29+$0x0] =	vst.idx.msk $0xffff, v7  }
0xf0: {  	v51 =	vor.u32 v3, v8;
	v6 =	vld.idx.msk [tilespmem:v6+s19+$0x0], $0xffff;
	_ =	sdelay $0x3  }
0xf1: {  	s18 =	spop @!p0 (v2sf)  }
0xf2: {  	s19 =	simm.s32 @!p0 $0xC280;
	[tilespmem:v51+s29+$0x0] =	vst.idx.msk $0xffff, v6;
	s18 =	sadd.s32 @!p0 s1, s18  }
0xf3: {  	v52 =	vbroadcast v5, $0xD;
	[tilespmem:s19], [sflag:$0xD] =	stream.strided.gather @!p0 [hbm4b:s18+s16], $0x1000, s17, s16, $0x38;
	[tilespmem:$0x14280] =	vst v63  }
0xf4: {  	_ =	swait.ge [sflag:s11], $0x1000  }
0xf5: {  	v53 =	vor.u32 v0, v52;
	s19 =	sadd.s32 $0xFFFFFFFE, s15;
	(v2sf) =	vpush @!p0 v4, $0xD  }
0xf6: {  	v54 =	vmov s19  }
0xf7: {  	v55 =	vshll.u32 v54, $0x3  }
0xf8: {  	[sflag:s11] =	ssyncset.done $0x0;
	v8 =	vand.u32 $0x7D, v54;
	v9 =	vand.u32 $0xC00, v55  }
0xf9: {  	s19 =	simm.s32 $0xD280;
	[sflag:s11] =	ssyncadd.s32 $0xFFFFF000;
	v8 =	vor.u32 v8, v9  }
0xfa: {  	v7 =	vld.idx.msk [tilespmem:v53+s19+$0x0], $0xffff;
	v9 =	vor.u32 v1, v8  }
0xfb: {  	v6 =	vor.u32 v2, v52;
	_ =	sdelay $0x3  }
0xfc: {  	[tilespmem:v9+s29+$0x0] =	vst.idx.msk $0xffff, v7  }
0xfd: {  	v56 =	vor.u32 v3, v8;
	v6 =	vld.idx.msk [tilespmem:v6+s19+$0x0], $0xffff;
	_ =	sdelay $0x3  }
0xfe: {  	s18 =	spop @!p0 (v2sf)  }
0xff: {  	s19 =	simm.s32 @!p0 $0xD280;
	[tilespmem:v56+s29+$0x0] =	vst.idx.msk $0xffff, v6;
	s18 =	sadd.s32 @!p0 s1, s18  }
0x100: {  	v57 =	vbroadcast v5, $0xE;
	[tilespmem:s19], [sflag:$0xE] =	stream.strided.gather @!p0 [hbm4b:s18+s16], $0x1000, s17, s16, $0x38;
	[tilespmem:$0x14280] =	vst v63  }
0x101: {  	_ =	swait.ge [sflag:s12], $0x1000  }
0x102: {  	v58 =	vor.u32 v0, v57;
	s19 =	sadd.s32 $0xFFFFFFFF, s15;
	(v2sf) =	vpush @!p0 v4, $0xE  }
0x103: {  	v59 =	vmov s19  }
0x104: {  	v60 =	vshll.u32 v59, $0x3  }
0x105: {  	[sflag:s12] =	ssyncset.done $0x0;
	v8 =	vand.u32 $0x7E, v59;
	v9 =	vand.u32 $0xC00, v60  }
0x106: {  	[sflag:s12] =	ssyncadd.s32 $0xFFFFF000;
	v8 =	vor.u32 v8, v9  }
0x107: {  	v7 =	vld.idx.msk [tilespmem:v58+s20+$0x0], $0xffff;
	v9 =	vor.u32 v1, v8  }
0x108: {  	v6 =	vor.u32 v2, v57;
	_ =	sdelay $0x3  }
0x109: {  	[tilespmem:v9+s29+$0x0] =	vst.idx.msk $0xffff, v7  }
0x10a: {  	v61 =	vor.u32 v3, v8;
	v6 =	vld.idx.msk [tilespmem:v6+s20+$0x0], $0xffff;
	_ =	sdelay $0x3  }
0x10b: {  	s18 =	spop @!p0 (v2sf)  }
0x10c: {  	s19 =	simm.s32 @!p0 $0xE280;
	[tilespmem:v61+s29+$0x0] =	vst.idx.msk $0xffff, v6;
	s18 =	sadd.s32 @!p0 s1, s18  }
0x10d: {  	v5 =	vbroadcast v5, $0xF;
	[tilespmem:s19], [sflag:$0xF] =	stream.strided.gather @!p0 [hbm4b:s18+s16], $0x1000, s17, s16, $0x38;
	[tilespmem:$0x14280] =	vst v63  }
0x10e: {  	_ =	swait.ge [sflag:s13], $0x1000  }
0x10f: {  	v62 =	vor.u32 v0, v5;
	(v2sf) =	vpush @!p0 v4, $0xF  }
0x110: {  	v4 =	vmov s15  }
0x111: {  	v63 =	vshll.u32 v4, $0x3  }
0x112: {  	[sflag:s13] =	ssyncset.done $0x0;
	v4 =	vand.u32 $0x7F, v4;
	v7 =	vand.u32 $0xC00, v63  }
0x113: {  	[sflag:s13] =	ssyncadd.s32 $0xFFFFF000;
	v4 =	vor.u32 v4, v7  }
0x114: {  	v6 =	vld.idx.msk [tilespmem:v62+s24+$0x0], $0xffff;
	v7 =	vor.u32 v1, v4  }
0x115: {  	v5 =	vor.u32 v2, v5;
	_ =	sdelay $0x3  }
0x116: {  	[tilespmem:v7+s29+$0x0] =	vst.idx.msk $0xffff, v6  }
0x117: {  	s15 =	sadd.s32 @!p0 $0x10, s15;
	v4 =	vor.u32 v3, v4;
	v5 =	vld.idx.msk [tilespmem:v5+s24+$0x0], $0xffff  }
0x118: {  	p1 =	sne.s32 @!p0 s15, $0x20F  }
0x119: {  	p1 =	por p0, !p1  }
.Ltmp0:
0x11a: {  	_ = 	snop;
	(pc) =	sbr.rel @!p1 .LBB2_2-.Ltmp0, $4  }
0x11b: {  	s18 =	spop @!p0 (v2sf)  }
0x11c: {  	s19 =	simm.s32 @!p0 $0xF280;
	[tilespmem:v4+s29+$0x0] =	vst.idx.msk $0xffff, v5;
	s18 =	sadd.s32 @!p0 s1, s18  }
0x11d: {  	[tilespmem:s19], [sflag:$0x10] =	stream.strided.gather @!p0 [hbm4b:s18+s16], $0x1000, s17, s16, $0x38;
	[tilespmem:$0x14280] =	vst v63  }
0x11e: {  	s14 =	sadd.s32 @!p0 $0x10, s14;
	s17 =	simm.s32 $0x280  }
0x11f: {  	s14 =	rddreg [dreg:$0x6];
	s15 =	simm.s32 $0x1000;
	s16 =	simm.s32 $0x20000  }
0x120: {  	[hbm4b:s14+s15] =	stream.strided.scatter [tilespmem:s29], [sflag:$0x11], $0x4000, s16, s15, $0x38;
	[tilespmem:$0x14280] =	vst v63  }
0x121: {  	s23 =	rddreg [dreg:$0x7];
	s24 =	simm.s32 $0x11  }
0x122: {  	[hbm4b:s23+s15] =	stream.strided.scatter [tilespmem:s29], [sflag:$0x11], $0x4000, s16, s15, $0x38;
	[tilespmem:$0x14280] =	vst v63  }
0x123: {  	_ =	swait.ge [sflag:s24], $0x4000  }
0x124: {  	[sflag:s24] =	ssyncset.done $0x0  }
0x125: {  	[sflag:s24] =	ssyncadd.s32 $0xFFFFC000  }
0x126: {  	_ =	swait.ge [sflag:s24], $0x4000  }
0x127: {  	s25 =	rddreg [dreg:$0x9]  }
0x128: {  	s26 =	rddreg [dreg:$0x8];
	s16 =	sadd.s32 $0x1, s25  }
0x129: {  	p0 =	sne.s32 s16, s26  }
.Ltmp1:
0x12a: {  	_ = 	snop;
	(pc) =	sbr.rel @p0 .LBB2_1-.Ltmp1, $4  }
0x12b: {  	s18 =	simm.s32 $0x1280;
	s19 =	simm.s32 $0x2280  }
0x12c: {  	s20 =	simm.s32 $0x3280;
	s21 =	simm.s32 $0x4280;
	[sflag:s24] =	ssyncset.done $0x0  }
0x12d: {  	s22 =	simm.s32 $0x5280;
	s23 =	simm.s32 $0x6280;
	[sflag:s24] =	ssyncadd.s32 $0xFFFFC000  }
0x12e: {  	s24 =	simm.s32 $0x7280;
	s25 =	simm.s32 $0x8280;
	s26 =	simm.s32 $0x9280  }
0x12f: {  	_ =	sfence.sel $0x180000  }
0x130: {  	[bflag:$0x0] =	sbarrier.arrive $0xFFFF  }
0x131: {  	_ =	strace $0x90000047  }
0x132: {  	s0 =	stileid.u32;
	[bflag:$0x2] =	sbarrier.arrive $0xFFFF  }
0x133: {  	p0 =	sne.s32 s0, $0x0;
	s0 =	rddreg [dreg:$0x4]  }
0x134: {  	s0 =	sadd.s32 @!p0 $0x100000, s0  }
0x135: {  	[sflag:s0] =	ssyncadd.tile.s32 @!p0 $0x1;
	_ =	shalt  }
.Lfunc_end2:
_tile_overlayer_lowered:
.L_overlay_start_2:
0x136: {  	(tag) =	ssettag $0x2  }
0x137: {  	s0 =	rddreg [dreg:$0x0];
	s2 =	stileid.u32  }
0x138: {  	s1 =	rddreg [dreg:$0x1];
	p0 =	sne.s32 s2, $0x0  }
0x139: {  	s3 =	rddreg [dreg:$0x2];
	[bflag:$0x3] =	sbarrier.arrive $0xFFFF;
	s2 =	simm.s32 @!p0 $0x1C12  }
0x13a: {  	[timem:s3], [sflag:s2] =	dma.local @!p0 [hbm:s0], s1  }
0x13b: {  	s0 =	simm.s32 @!p0 $0x12  }
0x13c: {  	_ =	swait.ge @!p0 [sflag:s0], s1  }
0x13d: {  	s1 =	ssub.s32 @!p0 $0x0, s1;
	[sflag:s0] =	ssyncset.done @!p0 $0x0  }
0x13e: {  	[sflag:s0] =	ssyncadd.s32 @!p0 s1  }
0x13f: {  	[bflag:$0x3] =	sbarrier.arrive $0xFFFF  }
0x140: {  	_ =	shalt  }

</sc_bundles>
